<compile_context>
chip_gen: v7x
topology: tpu7x:2x2x1
jax: 0.10.2.dev20260603
libtpu: 0.0.44.dev20260713+nightly
codegen_flags: <defaults>
</compile_context>

<pallas_src>
import functools

import numpy as np
import jax
import jax.numpy as jnp
from jax.experimental import pallas as pl
from jax.experimental.pallas import tpu as pltpu
from jax.experimental.pallas import tpu_sc as plsc

D = 300
PD = 384
NEG = 0.01
_SCALE = float(1.0 / np.sqrt(float(D)))

_NC, _NS = 2, 16
_NW = _NC * _NS
_GCHUNK = 128

_BF = jnp.bfloat16


def _lrelu(x):
    return jnp.where(x >= 0, x, NEG * x)


def _bf(x):
    return x.astype(_BF)


def _mm(a, b):
    return jax.lax.dot_general(_bf(a), _bf(b), (((1,), (0,)), ((), ())),
                               preferred_element_type=jnp.float32)


def _mm_t(a, b):
    return jax.lax.dot_general(_bf(a), _bf(b), (((1,), (1,)), ((), ())),
                               preferred_element_type=jnp.float32)


def _preq_body(x1_ref, x2_ref, ei1_ref, ei2_ref, wq1_ref, wq2_ref, b_ref,
               gq_ref, idx_ref):
    n = x1_ref.shape[0]
    gq_ref[:, D:PD] = jnp.zeros((2 * n, PD - D), jnp.float32)
    gq_ref[0:n, 0:D] = _mm(x1_ref[...], wq1_ref[0]) + b_ref[0:1, :]
    gq_ref[n:2 * n, 0:D] = _mm(x2_ref[...], wq2_ref[0]) + b_ref[5:6, :]
    idx_ref[0:1, :] = ei1_ref[1:2, :]
    idx_ref[1:2, :] = ei2_ref[1:2, :] + n


def _prekvse_body(x1_ref, x2_ref, ea1_ref, ea2_ref, w_ref, b_ref,
                  gkvs_ref, e1_ref, e2_ref):
    n = x1_ref.shape[0]
    gkvs_ref[:, D:PD] = jnp.zeros((6 * n, PD - D), jnp.float32)
    for gi, x_ref in enumerate((x1_ref, x2_ref)):
        x = x_ref[...]
        for j in range(3):
            base = (gi * 3 + j) * n
            wj = 5 * gi + 1 + j
            gkvs_ref[base:base + n, 0:D] = (
                _mm(x, w_ref[wj]) + b_ref[wj:wj + 1, :])
    for gi, (ea_ref, e_ref) in enumerate(((ea1_ref, e1_ref),
                                          (ea2_ref, e2_ref))):
        wj = 5 * gi + 4
        e_ref[:, D:PD] = jnp.zeros((e_ref.shape[0], PD - D), _BF)
        e_ref[:, 0:D] = _bf(_mm(ea_ref[...], w_ref[wj]) + b_ref[wj:wj + 1, :])


def _sc_gather(table, idx2d, g, ne):
    nch = ne // (_NW * _GCHUNK)
    mesh = plsc.VectorSubcoreMesh(core_axis_name="c", subcore_axis_name="s")

    @functools.partial(
        pl.kernel, mesh=mesh,
        out_type=jax.ShapeDtypeStruct((ne, PD), jnp.float32),
        scratch_types=[pltpu.VMEM((_GCHUNK,), jnp.int32),
                       pltpu.VMEM((_GCHUNK, PD), jnp.float32),
                       pltpu.SemaphoreType.DMA],
    )
    def knl(table_hbm, idx_hbm, out_hbm, idx_v, rows_v, sem):
        wid = jax.lax.axis_index("s") * _NC + jax.lax.axis_index("c")

        @pl.loop(0, nch)
        def _(j):
            base = (wid * nch + j) * _GCHUNK
            pltpu.sync_copy(idx_hbm.at[g, pl.ds(base, _GCHUNK)], idx_v)
            pltpu.async_copy(table_hbm.at[idx_v], rows_v, sem).wait()
            pltpu.sync_copy(rows_v, out_hbm.at[pl.ds(base, _GCHUNK)])

    return knl(table, idx2d)


def _fin_core(qd_ref, q_ref, k_ref, v_ref, s_ref, e_ref, ei_ref, n):
    ne = e_ref.shape[0]
    e = e_ref[...]
    qd = qd_ref[...]

    src = ei_ref[0:1, :]
    dst = ei_ref[1:2, :]
    row_ids = jax.lax.broadcasted_iota(jnp.int32, (n, ne), 0)
    msrc = (row_ids == src).astype(_BF)
    mdst_b = (row_ids == dst)

    sqk = _mm_t(q_ref[...], k_ref[...])
    rows = _mm(sqk, msrc)
    alpha1 = jnp.sum(jnp.where(mdst_b, rows, 0.0), axis=0, keepdims=True)
    alpha2 = _mm_t(jnp.ones((1, PD), jnp.float32),
                   qd * e.astype(jnp.float32))
    alpha = (alpha1 + alpha2) * _SCALE

    a_dense = jnp.where(mdst_b, alpha, -jnp.inf)
    amax = jnp.max(a_dense, axis=1, keepdims=True)
    amax = jnp.where(amax == -jnp.inf, 0.0, amax)
    p = jnp.exp(a_dense - amax)
    denom = jnp.sum(p, axis=1, keepdims=True)
    pn = p / (denom + 1e-16)

    c = _mm_t(pn, msrc)
    out = _mm(c, v_ref[...]) + _mm(pn, e) + s_ref[...]
    return _lrelu(out)[:, 0:D]


def _fin_body(qd_ref, q_ref, k_ref, v_ref, s_ref, e_ref, ei_ref, o_ref):
    o_ref[...] = _fin_core(qd_ref, q_ref, k_ref, v_ref, s_ref, e_ref, ei_ref,
                           o_ref.shape[0])


def _fin2cross_body(x1_ref, qd_ref, q_ref, k_ref, v_ref, s_ref, e_ref, ei_ref,
                    w_ref, b_ref,
                    w1_ref, b1_ref, w2_ref, b2_ref, w3_ref, b3_ref, o_ref):
    x1 = x1_ref[...]
    x2 = _fin_core(qd_ref, q_ref, k_ref, v_ref, s_ref, e_ref, ei_ref,
                   x1.shape[0])

    def conv(xd, xs, o):
        ec = (jnp.sum(w_ref[o + 4].astype(jnp.float32), axis=0, keepdims=True)
              + b_ref[o + 4:o + 5, :])
        qd = _mm(xd, w_ref[o + 0]) + b_ref[o + 0:o + 1, :]
        ks = _mm(xs, w_ref[o + 1]) + b_ref[o + 1:o + 2, :] + ec
        vs = _mm(xs, w_ref[o + 2]) + b_ref[o + 2:o + 3, :] + ec
        sd = _mm(xd, w_ref[o + 3]) + b_ref[o + 3:o + 4, :]
        al = _mm_t(qd, ks) * _SCALE
        amax = jnp.max(al, axis=1, keepdims=True)
        p = jnp.exp(al - amax)
        denom = jnp.sum(p, axis=1, keepdims=True)
        pn = p / (denom + 1e-16)
        return _lrelu(_mm(pn, vs) + sd)

    x1n = conv(x1, x2, 0)
    x2n = conv(x2, x1, 5)

    p1 = jnp.mean(x1n, axis=0, keepdims=True)
    p2 = jnp.mean(x2n, axis=0, keepdims=True)
    xc = jnp.concatenate([p1, p2], axis=1)
    h = _lrelu(_mm(xc, w1_ref[...]) + b1_ref[...])
    h = _lrelu(_mm(h, w2_ref[...]) + b2_ref[...])
    o = _mm(h, w3_ref[...]) + b3_ref[...]
    o = 1.0 / (1.0 + jnp.exp(-o))

    o_ref[...] = jnp.zeros((8, 2 * D), jnp.float32)
    o_ref[0:1, 0:D] = p1
    o_ref[1:2, 0:D] = p2
    o_ref[2:3, 0:128] = jnp.broadcast_to(o, (1, 128))


def _pack(pa, pb):
    names = ('q', 'k', 'v', 's', 'e')
    w = jnp.stack([p['W' + nm][0] for p in (pa, pb) for nm in names])
    b = jnp.stack([p['b' + nm][0] for p in (pa, pb) for nm in names])
    return w.astype(_BF), b


def kernel(x_1, x_2, edge_idx_1, edge_idx_2, edge_attr_1, edge_attr_2, params):
    n = x_1.shape[0]
    ne = edge_idx_1.shape[1]
    f32 = jnp.float32

    x1b = _bf(x_1)
    x2b = _bf(x_2)
    ei1 = edge_idx_1.astype(jnp.int32)
    ei2 = edge_idx_2.astype(jnp.int32)
    wI, bI = _pack(params['TSA'], params['GSA'])
    wC, bC = _pack(params['TCA'], params['GCA'])

    gq, idx2d = pl.pallas_call(
        _preq_body,
        grid=(1,),
        in_specs=[
            pl.BlockSpec((n, D), lambda i: (0, 0)),
            pl.BlockSpec((n, D), lambda i: (0, 0)),
            pl.BlockSpec((2, ne), lambda i: (0, 0)),
            pl.BlockSpec((2, ne), lambda i: (0, 0)),
            pl.BlockSpec((1, D, D), lambda i: (0, 0, 0)),
            pl.BlockSpec((1, D, D), lambda i: (5, 0, 0)),
            pl.BlockSpec((10, D), lambda i: (0, 0)),
        ],
        out_specs=[pl.BlockSpec((2 * n, PD), lambda i: (0, 0)),
                   pl.BlockSpec((2, ne), lambda i: (0, 0))],
        out_shape=[jax.ShapeDtypeStruct((2 * n, PD), f32),
                   jax.ShapeDtypeStruct((2, ne), jnp.int32)])(
        x1b, x2b, ei1, ei2, wI, wI, bI)

    qd1 = _sc_gather(gq, idx2d, 0, ne)
    qd2 = _sc_gather(gq, idx2d, 1, ne)

    gkvs, e1, e2 = pl.pallas_call(
        _prekvse_body,
        out_shape=[jax.ShapeDtypeStruct((6 * n, PD), f32),
                   jax.ShapeDtypeStruct((ne, PD), _BF),
                   jax.ShapeDtypeStruct((ne, PD), _BF)])(
        x1b, x2b, edge_attr_1, edge_attr_2, wI, bI)

    def fin(gi, qd, e, ei):
        return pl.pallas_call(
            _fin_body,
            grid=(1,),
            in_specs=[
                pl.BlockSpec((ne, PD), lambda i: (0, 0)),
                pl.BlockSpec((n, PD), lambda i, gi=gi: (gi, 0)),
                pl.BlockSpec((n, PD), lambda i, gi=gi: (3 * gi, 0)),
                pl.BlockSpec((n, PD), lambda i, gi=gi: (3 * gi + 1, 0)),
                pl.BlockSpec((n, PD), lambda i, gi=gi: (3 * gi + 2, 0)),
                pl.BlockSpec((ne, PD), lambda i: (0, 0)),
                pl.BlockSpec((2, ne), lambda i: (0, 0)),
            ],
            out_specs=pl.BlockSpec((n, D), lambda i: (0, 0)),
            out_shape=jax.ShapeDtypeStruct((n, D), f32),
        )(qd, gq, gkvs, gkvs, gkvs, e, ei)

    x1p = fin(0, qd1, e1, ei1)

    m = params['mlp']
    packed = pl.pallas_call(
        _fin2cross_body,
        grid=(1,),
        in_specs=[
            pl.BlockSpec((n, D), lambda i: (0, 0)),
            pl.BlockSpec((ne, PD), lambda i: (0, 0)),
            pl.BlockSpec((n, PD), lambda i: (1, 0)),
            pl.BlockSpec((n, PD), lambda i: (3, 0)),
            pl.BlockSpec((n, PD), lambda i: (4, 0)),
            pl.BlockSpec((n, PD), lambda i: (5, 0)),
            pl.BlockSpec((ne, PD), lambda i: (0, 0)),
            pl.BlockSpec((2, ne), lambda i: (0, 0)),
            pl.BlockSpec((10, D, D), lambda i: (0, 0, 0)),
            pl.BlockSpec((10, D), lambda i: (0, 0)),
            pl.BlockSpec((2 * D, 600), lambda i: (0, 0)),
            pl.BlockSpec((1, 600), lambda i: (0, 0)),
            pl.BlockSpec((600, D), lambda i: (0, 0)),
            pl.BlockSpec((1, D), lambda i: (0, 0)),
            pl.BlockSpec((D, 1), lambda i: (0, 0)),
            pl.BlockSpec((1, 1), lambda i: (0, 0)),
        ],
        out_specs=pl.BlockSpec((8, 2 * D), lambda i: (0, 0)),
        out_shape=jax.ShapeDtypeStruct((8, 2 * D), f32))(
        x1p, qd2, gq, gkvs, gkvs, gkvs, e2, ei2, wC, bC,
        m['W1'], m['b1'].reshape(1, -1), m['W2'], m['b2'].reshape(1, -1),
        m['W3'], m['b3'].reshape(1, 1))

    p1 = packed[0, :D]
    p2 = packed[1, :D]
    out = packed[2, :1]
    return (p1, p2, out)

# --- scband reference (transcript-rebuilt; emitter-appended) ---
"""Pipeline reference for scband-big-gnn-46694884442485 (READ-ONLY COPY).

The authoritative reference and input builder live on the scoring server;
editing this copy changes nothing except your own understanding.
"""

import jax, jax.numpy as jnp
import numpy as np

N_LAYERS = 1
HEADS = 1
OUT = 300
D = 300


def _make_conv_params(key, n_layers):
    ks = jax.random.split(key, 5)
    HC = HEADS * OUT
    s = 1.0 / np.sqrt(D)
    p = {}
    for i, nm in enumerate(['q', 'k', 'v', 'e']):
        p['W' + nm] = jax.random.normal(ks[i], (n_layers, D, HC), dtype=jnp.float32) * s
        p['b' + nm] = jnp.zeros((n_layers, HC), dtype=jnp.float32)
    p['Ws'] = jax.random.normal(ks[4], (n_layers, D, OUT), dtype=jnp.float32) * s
    p['bs'] = jnp.zeros((n_layers, OUT), dtype=jnp.float32)
    return p


def setup_inputs(seed: int = 0):
    key = jax.random.key(seed)
    ks = jax.random.split(key, 16)
    n1, n2, e1, e2 = 256, 256, 4096, 4096
    x_1 = jax.random.normal(ks[0], (n1, D), dtype=jnp.float32)
    x_2 = jax.random.normal(ks[1], (n2, D), dtype=jnp.float32)
    edge_idx_1 = jax.random.randint(ks[2], (2, e1), 0, n1)
    edge_idx_2 = jax.random.randint(ks[3], (2, e2), 0, n2)
    edge_attr_1 = jax.random.normal(ks[4], (e1, D), dtype=jnp.float32)
    edge_attr_2 = jax.random.normal(ks[5], (e2, D), dtype=jnp.float32)
    params = {
        'TSA': _make_conv_params(ks[6], N_LAYERS),
        'GSA': _make_conv_params(ks[7], N_LAYERS),
        'TCA': _make_conv_params(ks[8], N_LAYERS),
        'GCA': _make_conv_params(ks[9], N_LAYERS),
        'mlp': {
            'W1': jax.random.normal(ks[10], (2 * D, 600), dtype=jnp.float32) / np.sqrt(2 * D),
            'b1': jnp.zeros((600,), dtype=jnp.float32),
            'W2': jax.random.normal(ks[11], (600, 300), dtype=jnp.float32) / np.sqrt(600),
            'b2': jnp.zeros((300,), dtype=jnp.float32),
            'W3': jax.random.normal(ks[12], (300, 1), dtype=jnp.float32) / np.sqrt(300),
            'b3': jnp.zeros((1,), dtype=jnp.float32),
        },
    }
    return {'x_1': x_1, 'x_2': x_2, 'edge_idx_1': edge_idx_1, 'edge_idx_2': edge_idx_2,
            'edge_attr_1': edge_attr_1, 'edge_attr_2': edge_attr_2, 'params': params}


def _tconv(p, x, edge_index, edge_attr):
    # PyG TransformerConv, concat=False, root_weight=True, dropout inactive (eval)
    src, dst = edge_index[0], edge_index[1]
    n = x.shape[0]
    q = (x @ p['Wq'] + p['bq']).reshape(n, HEADS, OUT)
    k = (x @ p['Wk'] + p['bk']).reshape(n, HEADS, OUT)
    v = (x @ p['Wv'] + p['bv']).reshape(n, HEADS, OUT)
    e = (edge_attr @ p['We'] + p['be']).reshape(-1, HEADS, OUT)
    k_j = k[src] + e
    v_j = v[src] + e
    q_i = q[dst]
    alpha = jnp.sum(q_i * k_j, axis=-1) / jnp.sqrt(float(OUT))
    amax = jax.lax.stop_gradient(jax.ops.segment_max(alpha, dst, num_segments=n))
    amax = jnp.where(jnp.isfinite(amax), amax, 0.0)
    ex = jnp.exp(alpha - amax[dst])
    denom = jax.ops.segment_sum(ex, dst, num_segments=n)
    attn = ex / (denom[dst] + 1e-16)
    out = jax.ops.segment_sum(v_j * attn[:, :, None], dst, num_segments=n)
    out = jnp.mean(out, axis=1)
    out = out + x @ p['Ws'] + p['bs']
    return out


def _layer(p, i, x, ei, ea):
    pi = jax.tree_util.tree_map(lambda a: a[i], p)
    return jax.nn.leaky_relu(_tconv(pi, x, ei, ea), negative_slope=0.01)


def _make_cross_graph(n_a, n_b):
    # full bipartite: every appended node (offset n_a) -> every original node
    src = jnp.repeat(jnp.arange(n_a, n_a + n_b), n_a)
    dst = jnp.tile(jnp.arange(n_a), n_b)
    edge_index = jnp.stack([src, dst])
    edge_attr = jnp.ones((n_a * n_b, D), dtype=jnp.float32)
    return edge_index, edge_attr


def _forward(x_1, x_2, edge_idx_1, edge_idx_2, edge_attr_1, edge_attr_2, params):
    for i in range(N_LAYERS):
        x_1 = _layer(params['TSA'], i, x_1, edge_idx_1, edge_attr_1)
        x_2 = _layer(params['GSA'], i, x_2, edge_idx_2, edge_attr_2)
        len1, len2 = x_1.shape[0], x_2.shape[0]
        ei1c, ea1c = _make_cross_graph(len1, len2)
        ei2c, ea2c = _make_cross_graph(len2, len1)
        x1c = jnp.concatenate([x_1, x_2], axis=0)
        x2c = jnp.concatenate([x_2, x_1], axis=0)
        x1c = _layer(params['TCA'], i, x1c, ei1c, ea1c)
        x2c = _layer(params['GCA'], i, x2c, ei2c, ea2c)
        x_1 = x1c[:len1]
        x_2 = x2c[:len2]
    p1 = jnp.mean(x_1, axis=0)
    p2 = jnp.mean(x_2, axis=0)
    xc = jnp.concatenate([p1, p2], axis=0)
    m = params['mlp']
    h = jax.nn.leaky_relu(xc @ m['W1'] + m['b1'], negative_slope=0.01)
    h = jax.nn.leaky_relu(h @ m['W2'] + m['b2'], negative_slope=0.01)
    out = jax.nn.sigmoid(h @ m['W3'] + m['b3'])
    return (p1, p2, out)


def reference(x_1, x_2, edge_idx_1, edge_idx_2, edge_attr_1, edge_attr_2, params):
    return _forward(x_1, x_2, edge_idx_1, edge_idx_2, edge_attr_1, edge_attr_2, params)

if __name__ == "__main__":
    import jax
    _d = setup_inputs()
    print(jax.jit(kernel)(*tuple(_d.values())))

</pallas_src>

<mosaic_0001>
#map = affine_map<(d0, d1) -> (0, 0)>
module attributes {stable_mosaic.version = 14 : i64} {
  func.func @knl(%arg0: i32, %arg1: i32, %arg2: memref<512x384xf32, #tpu.memory_space<hbm>>, %arg3: memref<2x4096xi32, #tpu.memory_space<hbm>>, %arg4: memref<4096x384xf32, #tpu.memory_space<hbm>>, %arg5: memref<128xi32, #tpu.memory_space<vmem>>, %arg6: memref<128x384xf32, #tpu.memory_space<vmem>>, %arg7: memref<!tpu.dma_semaphore, #tpu.memory_space<semaphore_mem>>) attributes {dimension_semantics = [#tpu.dimension_semantics<core_parallel>, #tpu.dimension_semantics<subcore_parallel>], iteration_bounds = array<i64: 2, 16>, scalar_prefetch = 0 : i64, scratch_operands = 3 : i64, tpu.core_type = #tpu.core_type<sc_vector_subcore>, window_params = [{transform_indices = #map}, {transform_indices = #map}, {transform_indices = #map}]} {
    %mul3A = arith.constant 2 : i32
    %mul3A_0 = arith.muli %arg1, %mul3A : i32
    %add3A = arith.addi %mul3A_0, %arg0 : i32
    %scan3A = arith.constant 0 : i32
    %mul3A_1 = arith.constant 1 : i32
    %mul3A_2 = arith.muli %scan3A, %mul3A_1 : i32
    %add3A_3 = arith.constant 0 : i32
    %add3A_4 = arith.addi %add3A_3, %mul3A_2 : i32
    %mul3A_5 = arith.constant 1 : i32
    %mul3A_6 = arith.muli %add3A, %mul3A_5 : i32
    %add3A_7 = arith.addi %mul3A_6, %add3A_4 : i32
    %mul3A_8 = arith.constant 128 : i32
    %mul3A_9 = arith.muli %add3A_7, %mul3A_8 : i32
    %run_scoped3A = arith.constant 0 : i32
    "tpu.region"() ({
      %run_scoped3A_15 = tpu.sem_alloc : memref<!tpu.dma_semaphore, #tpu.memory_space<semaphore_mem>>
      %dma_start3A_16 = tpu.memref_slice %arg3[%run_scoped3A, %mul3A_9] : memref<2x4096xi32, #tpu.memory_space<hbm>> -> memref<1x128xi32, #tpu.memory_space<hbm>>
      %dma_start3A_17 = tpu.memref_squeeze %dma_start3A_16 : memref<1x128xi32, #tpu.memory_space<hbm>> -> memref<128xi32, #tpu.memory_space<hbm>>
      %dma_start3A_18 = tpu.memref_slice %arg3[%run_scoped3A, %mul3A_9] : memref<2x4096xi32, #tpu.memory_space<hbm>> -> memref<1x128xi32, #tpu.memory_space<hbm>>
      %dma_start3A_19 = tpu.memref_squeeze %dma_start3A_18 : memref<1x128xi32, #tpu.memory_space<hbm>> -> memref<128xi32, #tpu.memory_space<hbm>>
      tpu.enqueue_dma source(%dma_start3A_19 : memref<128xi32, #tpu.memory_space<hbm>>) target(%arg5 : memref<128xi32, #tpu.memory_space<vmem>>) target_semaphore(%run_scoped3A_15 : memref<!tpu.dma_semaphore, #tpu.memory_space<semaphore_mem>>)
      %dma_wait3A_20 = tpu.memref_slice %arg3[%run_scoped3A, %mul3A_9] : memref<2x4096xi32, #tpu.memory_space<hbm>> -> memref<1x128xi32, #tpu.memory_space<hbm>>
      %dma_wait3A_21 = tpu.memref_squeeze %dma_wait3A_20 : memref<1x128xi32, #tpu.memory_space<hbm>> -> memref<128xi32, #tpu.memory_space<hbm>>
      %dma_wait3A_22 = tpu.memref_slice %arg3[%run_scoped3A, %mul3A_9] : memref<2x4096xi32, #tpu.memory_space<hbm>> -> memref<1x128xi32, #tpu.memory_space<hbm>>
      %dma_wait3A_23 = tpu.memref_squeeze %dma_wait3A_22 : memref<1x128xi32, #tpu.memory_space<hbm>> -> memref<128xi32, #tpu.memory_space<hbm>>
      tpu.wait_dma2 semaphore(%run_scoped3A_15 : memref<!tpu.dma_semaphore, #tpu.memory_space<semaphore_mem>>) src(%dma_wait3A_23 : memref<128xi32, #tpu.memory_space<hbm>>) dst(%arg5 : memref<128xi32, #tpu.memory_space<vmem>>)
      tpu.yield
    }) : () -> ()
    %dma_start3A = arith.constant 0 : i32
    %dma_start3A_10 = arith.constant 0 : i32
    %dma_start3A_11 = tpu.memref_slice %arg2[%dma_start3A, %dma_start3A_10] : memref<512x384xf32, #tpu.memory_space<hbm>> -> memref<512x384xf32, #tpu.memory_space<hbm>>
    tpu.enqueue_indirect_dma source(%dma_start3A_11 : memref<512x384xf32, #tpu.memory_space<hbm>>) target(%arg6 : memref<128x384xf32, #tpu.memory_space<vmem>>) offsets(%arg5 : memref<128xi32, #tpu.memory_space<vmem>>) semaphore(%arg7 : memref<!tpu.dma_semaphore, #tpu.memory_space<semaphore_mem>>)
    %dma_wait3A = arith.constant 0 : i32
    %dma_wait3A_12 = arith.constant 0 : i32
    %dma_wait3A_13 = tpu.memref_slice %arg2[%dma_wait3A, %dma_wait3A_12] : memref<512x384xf32, #tpu.memory_space<hbm>> -> memref<512x384xf32, #tpu.memory_space<hbm>>
    tpu.wait_indirect_dma semaphore(%arg7 : memref<!tpu.dma_semaphore, #tpu.memory_space<semaphore_mem>>) src(%dma_wait3A_13 : memref<512x384xf32, #tpu.memory_space<hbm>>) dst(%arg6 : memref<128x384xf32, #tpu.memory_space<vmem>>)
    "tpu.region"() ({
      %run_scoped3A_15 = tpu.sem_alloc : memref<!tpu.dma_semaphore, #tpu.memory_space<semaphore_mem>>
      %dma_start3A_16 = arith.constant 0 : i32
      %dma_start3A_17 = tpu.memref_slice %arg4[%mul3A_9, %dma_start3A_16] : memref<4096x384xf32, #tpu.memory_space<hbm>> -> memref<128x384xf32, #tpu.memory_space<hbm>>
      %dma_start3A_18 = arith.constant 0 : i32
      %dma_start3A_19 = tpu.memref_slice %arg4[%mul3A_9, %dma_start3A_18] : memref<4096x384xf32, #tpu.memory_space<hbm>> -> memref<128x384xf32, #tpu.memory_space<hbm>>
      tpu.enqueue_dma source(%arg6 : memref<128x384xf32, #tpu.memory_space<vmem>>) target(%dma_start3A_19 : memref<128x384xf32, #tpu.memory_space<hbm>>) target_semaphore(%run_scoped3A_15 : memref<!tpu.dma_semaphore, #tpu.memory_space<semaphore_mem>>)
      %dma_wait3A_20 = arith.constant 0 : i32
      %dma_wait3A_21 = tpu.memref_slice %arg4[%mul3A_9, %dma_wait3A_20] : memref<4096x384xf32, #tpu.memory_space<hbm>> -> memref<128x384xf32, #tpu.memory_space<hbm>>
      %dma_wait3A_22 = arith.constant 0 : i32
      %dma_wait3A_23 = tpu.memref_slice %arg4[%mul3A_9, %dma_wait3A_22] : memref<4096x384xf32, #tpu.memory_space<hbm>> -> memref<128x384xf32, #tpu.memory_space<hbm>>
      tpu.wait_dma2 semaphore(%run_scoped3A_15 : memref<!tpu.dma_semaphore, #tpu.memory_space<semaphore_mem>>) src(%arg6 : memref<128x384xf32, #tpu.memory_space<vmem>>) dst(%dma_wait3A_23 : memref<128x384xf32, #tpu.memory_space<hbm>>)
      tpu.yield
    }) : () -> ()
    %scan3A_14 = arith.constant 1 : i32
    return
  }
}

#map = affine_map<(d0, d1) -> (0, 0)>
module attributes {stable_mosaic.version = 14 : i64} {
  func.func @knl(%arg0: i32, %arg1: i32, %arg2: memref<512x384xf32, #tpu.memory_space<hbm>>, %arg3: memref<2x4096xi32, #tpu.memory_space<hbm>>, %arg4: memref<4096x384xf32, #tpu.memory_space<hbm>>, %arg5: memref<128xi32, #tpu.memory_space<vmem>>, %arg6: memref<128x384xf32, #tpu.memory_space<vmem>>, %arg7: memref<!tpu.dma_semaphore, #tpu.memory_space<semaphore_mem>>) attributes {dimension_semantics = [#tpu.dimension_semantics<core_parallel>, #tpu.dimension_semantics<subcore_parallel>], iteration_bounds = array<i64: 2, 16>, scalar_prefetch = 0 : i64, scratch_operands = 3 : i64, tpu.core_type = #tpu.core_type<sc_vector_subcore>, window_params = [{transform_indices = #map}, {transform_indices = #map}, {transform_indices = #map}]} {
    %mul3A = arith.constant 2 : i32
    %mul3A_0 = arith.muli %arg1, %mul3A : i32
    %add3A = arith.addi %mul3A_0, %arg0 : i32
    %scan3A = arith.constant 0 : i32
    %mul3A_1 = arith.constant 1 : i32
    %mul3A_2 = arith.muli %scan3A, %mul3A_1 : i32
    %add3A_3 = arith.constant 0 : i32
    %add3A_4 = arith.addi %add3A_3, %mul3A_2 : i32
    %mul3A_5 = arith.constant 1 : i32
    %mul3A_6 = arith.muli %add3A, %mul3A_5 : i32
    %add3A_7 = arith.addi %mul3A_6, %add3A_4 : i32
    %mul3A_8 = arith.constant 128 : i32
    %mul3A_9 = arith.muli %add3A_7, %mul3A_8 : i32
    %run_scoped3A = arith.constant 1 : i32
    "tpu.region"() ({
      %run_scoped3A_15 = tpu.sem_alloc : memref<!tpu.dma_semaphore, #tpu.memory_space<semaphore_mem>>
      %dma_start3A_16 = tpu.memref_slice %arg3[%run_scoped3A, %mul3A_9] : memref<2x4096xi32, #tpu.memory_space<hbm>> -> memref<1x128xi32, #tpu.memory_space<hbm>>
      %dma_start3A_17 = tpu.memref_squeeze %dma_start3A_16 : memref<1x128xi32, #tpu.memory_space<hbm>> -> memref<128xi32, #tpu.memory_space<hbm>>
      %dma_start3A_18 = tpu.memref_slice %arg3[%run_scoped3A, %mul3A_9] : memref<2x4096xi32, #tpu.memory_space<hbm>> -> memref<1x128xi32, #tpu.memory_space<hbm>>
      %dma_start3A_19 = tpu.memref_squeeze %dma_start3A_18 : memref<1x128xi32, #tpu.memory_space<hbm>> -> memref<128xi32, #tpu.memory_space<hbm>>
      tpu.enqueue_dma source(%dma_start3A_19 : memref<128xi32, #tpu.memory_space<hbm>>) target(%arg5 : memref<128xi32, #tpu.memory_space<vmem>>) target_semaphore(%run_scoped3A_15 : memref<!tpu.dma_semaphore, #tpu.memory_space<semaphore_mem>>)
      %dma_wait3A_20 = tpu.memref_slice %arg3[%run_scoped3A, %mul3A_9] : memref<2x4096xi32, #tpu.memory_space<hbm>> -> memref<1x128xi32, #tpu.memory_space<hbm>>
      %dma_wait3A_21 = tpu.memref_squeeze %dma_wait3A_20 : memref<1x128xi32, #tpu.memory_space<hbm>> -> memref<128xi32, #tpu.memory_space<hbm>>
      %dma_wait3A_22 = tpu.memref_slice %arg3[%run_scoped3A, %mul3A_9] : memref<2x4096xi32, #tpu.memory_space<hbm>> -> memref<1x128xi32, #tpu.memory_space<hbm>>
      %dma_wait3A_23 = tpu.memref_squeeze %dma_wait3A_22 : memref<1x128xi32, #tpu.memory_space<hbm>> -> memref<128xi32, #tpu.memory_space<hbm>>
      tpu.wait_dma2 semaphore(%run_scoped3A_15 : memref<!tpu.dma_semaphore, #tpu.memory_space<semaphore_mem>>) src(%dma_wait3A_23 : memref<128xi32, #tpu.memory_space<hbm>>) dst(%arg5 : memref<128xi32, #tpu.memory_space<vmem>>)
      tpu.yield
    }) : () -> ()
    %dma_start3A = arith.constant 0 : i32
    %dma_start3A_10 = arith.constant 0 : i32
    %dma_start3A_11 = tpu.memref_slice %arg2[%dma_start3A, %dma_start3A_10] : memref<512x384xf32, #tpu.memory_space<hbm>> -> memref<512x384xf32, #tpu.memory_space<hbm>>
    tpu.enqueue_indirect_dma source(%dma_start3A_11 : memref<512x384xf32, #tpu.memory_space<hbm>>) target(%arg6 : memref<128x384xf32, #tpu.memory_space<vmem>>) offsets(%arg5 : memref<128xi32, #tpu.memory_space<vmem>>) semaphore(%arg7 : memref<!tpu.dma_semaphore, #tpu.memory_space<semaphore_mem>>)
    %dma_wait3A = arith.constant 0 : i32
    %dma_wait3A_12 = arith.constant 0 : i32
    %dma_wait3A_13 = tpu.memref_slice %arg2[%dma_wait3A, %dma_wait3A_12] : memref<512x384xf32, #tpu.memory_space<hbm>> -> memref<512x384xf32, #tpu.memory_space<hbm>>
    tpu.wait_indirect_dma semaphore(%arg7 : memref<!tpu.dma_semaphore, #tpu.memory_space<semaphore_mem>>) src(%dma_wait3A_13 : memref<512x384xf32, #tpu.memory_space<hbm>>) dst(%arg6 : memref<128x384xf32, #tpu.memory_space<vmem>>)
    "tpu.region"() ({
      %run_scoped3A_15 = tpu.sem_alloc : memref<!tpu.dma_semaphore, #tpu.memory_space<semaphore_mem>>
      %dma_start3A_16 = arith.constant 0 : i32
      %dma_start3A_17 = tpu.memref_slice %arg4[%mul3A_9, %dma_start3A_16] : memref<4096x384xf32, #tpu.memory_space<hbm>> -> memref<128x384xf32, #tpu.memory_space<hbm>>
      %dma_start3A_18 = arith.constant 0 : i32
      %dma_start3A_19 = tpu.memref_slice %arg4[%mul3A_9, %dma_start3A_18] : memref<4096x384xf32, #tpu.memory_space<hbm>> -> memref<128x384xf32, #tpu.memory_space<hbm>>
      tpu.enqueue_dma source(%arg6 : memref<128x384xf32, #tpu.memory_space<vmem>>) target(%dma_start3A_19 : memref<128x384xf32, #tpu.memory_space<hbm>>) target_semaphore(%run_scoped3A_15 : memref<!tpu.dma_semaphore, #tpu.memory_space<semaphore_mem>>)
      %dma_wait3A_20 = arith.constant 0 : i32
      %dma_wait3A_21 = tpu.memref_slice %arg4[%mul3A_9, %dma_wait3A_20] : memref<4096x384xf32, #tpu.memory_space<hbm>> -> memref<128x384xf32, #tpu.memory_space<hbm>>
      %dma_wait3A_22 = arith.constant 0 : i32
      %dma_wait3A_23 = tpu.memref_slice %arg4[%mul3A_9, %dma_wait3A_22] : memref<4096x384xf32, #tpu.memory_space<hbm>> -> memref<128x384xf32, #tpu.memory_space<hbm>>
      tpu.wait_dma2 semaphore(%run_scoped3A_15 : memref<!tpu.dma_semaphore, #tpu.memory_space<semaphore_mem>>) src(%arg6 : memref<128x384xf32, #tpu.memory_space<vmem>>) dst(%dma_wait3A_23 : memref<128x384xf32, #tpu.memory_space<hbm>>)
      tpu.yield
    }) : () -> ()
    %scan3A_14 = arith.constant 1 : i32
    return
  }
}

module attributes {stable_mosaic.version = 14 : i64} {
  func.func @_preq_body(%arg0: i32, %arg1: memref<256x300xbf16, #tpu.memory_space<vmem>>, %arg2: memref<256x300xbf16, #tpu.memory_space<vmem>>, %arg3: memref<2x4096xi32, #tpu.memory_space<vmem>>, %arg4: memref<2x4096xi32, #tpu.memory_space<vmem>>, %arg5: memref<1x300x300xbf16, #tpu.memory_space<vmem>>, %arg6: memref<1x300x300xbf16, #tpu.memory_space<vmem>>, %arg7: memref<10x300xf32, #tpu.memory_space<vmem>>, %arg8: memref<512x384xf32, #tpu.memory_space<vmem>>, %arg9: memref<2x4096xi32, #tpu.memory_space<vmem>>) attributes {dimension_semantics = [#tpu.dimension_semantics<arbitrary>], iteration_bounds = array<i64: 1>, scalar_prefetch = 0 : i64, scratch_operands = 0 : i64, tpu.core_type = #tpu.core_type<tc>, window_params = [{pipeline_mode = #tpu.pipeline_mode<synchronous>, transform_indices = @transform_0, window_bounds = array<i64: 256, 300>}, {pipeline_mode = #tpu.pipeline_mode<synchronous>, transform_indices = @transform_1, window_bounds = array<i64: 256, 300>}, {pipeline_mode = #tpu.pipeline_mode<synchronous>, transform_indices = @transform_2, window_bounds = array<i64: 2, 4096>}, {pipeline_mode = #tpu.pipeline_mode<synchronous>, transform_indices = @transform_3, window_bounds = array<i64: 2, 4096>}, {transform_indices = @transform_4, window_bounds = array<i64: 1, 300, 300>}, {transform_indices = @transform_5, window_bounds = array<i64: 1, 300, 300>}, {pipeline_mode = #tpu.pipeline_mode<synchronous>, transform_indices = @transform_6, window_bounds = array<i64: 10, 300>}, {pipeline_mode = #tpu.pipeline_mode<synchronous>, transform_indices = @transform_7, window_bounds = array<i64: 512, 384>}, {pipeline_mode = #tpu.pipeline_mode<synchronous>, transform_indices = @transform_8, window_bounds = array<i64: 2, 4096>}]} {
    %broadcast_in_dim3A = arith.constant 0.000000e+00 : f32
    %broadcast_in_dim3A_0 = vector.broadcast %broadcast_in_dim3A : f32 to vector<512x84xf32>
    %swap3A = arith.constant 0 : index
    %swap3A_1 = arith.constant 300 : index
    %swap3A_2 = vector.load %arg8[%swap3A, %swap3A_1] : memref<512x384xf32, #tpu.memory_space<vmem>>, vector<512x84xf32>
    tpu.vector_store %arg8[%swap3A, %swap3A_1], %broadcast_in_dim3A_0 {strides = array<i32>} : memref<512x384xf32, #tpu.memory_space<vmem>>, vector<512x84xf32>,
    %get3A = arith.constant 0 : index
    %get3A_3 = arith.constant 0 : index
    %get3A_4 = vector.load %arg1[%get3A, %get3A_3] : memref<256x300xbf16, #tpu.memory_space<vmem>>, vector<256x300xbf16>
    %get3A_5 = arith.constant 0 : index
    %get3A_6 = arith.constant 0 : index
    %get3A_7 = arith.constant 0 : index
    %get3A_8 = vector.load %arg5[%get3A_5, %get3A_6, %get3A_7] : memref<1x300x300xbf16, #tpu.memory_space<vmem>>, vector<1x300x300xbf16>
    %get3A_9 = vector.shape_cast %get3A_8 : vector<1x300x300xbf16> to vector<300x300xbf16>
    %dot_general3A = arith.constant dense<0.000000e+00> : vector<256x300xf32>
    %dot_general3A_10 = tpu.matmul %get3A_4, %get3A_9, %dot_general3A {dimension_numbers = #tpu.dot_dimension_numbers<[1], [0], [0], [1], [0, 0, 1, 1], [], []>, transpose_lhs_hint = false} : vector<256x300xbf16>, vector<300x300xbf16>, vector<256x300xf32> -> vector<256x300xf32>
    %get3A_11 = arith.constant 0 : index
    %get3A_12 = arith.constant 0 : index
    %get3A_13 = vector.load %arg7[%get3A_11, %get3A_12] : memref<10x300xf32, #tpu.memory_space<vmem>>, vector<1x300xf32>
    %add3A = vector.broadcast %get3A_13 : vector<1x300xf32> to vector<256x300xf32>
    %add3A_14 = arith.addf %dot_general3A_10, %add3A : vector<256x300xf32>
    %swap3A_15 = arith.constant 0 : index
    %swap3A_16 = arith.constant 0 : index
    %swap3A_17 = vector.load %arg8[%swap3A_15, %swap3A_16] : memref<512x384xf32, #tpu.memory_space<vmem>>, vector<256x300xf32>
    tpu.vector_store %arg8[%swap3A_15, %swap3A_16], %add3A_14 {strides = array<i32>} : memref<512x384xf32, #tpu.memory_space<vmem>>, vector<256x300xf32>,
    %get3A_18 = arith.constant 0 : index
    %get3A_19 = arith.constant 0 : index
    %get3A_20 = vector.load %arg2[%get3A_18, %get3A_19] : memref<256x300xbf16, #tpu.memory_space<vmem>>, vector<256x300xbf16>
    %get3A_21 = arith.constant 0 : index
    %get3A_22 = arith.constant 0 : index
    %get3A_23 = arith.constant 0 : index
    %get3A_24 = vector.load %arg6[%get3A_21, %get3A_22, %get3A_23] : memref<1x300x300xbf16, #tpu.memory_space<vmem>>, vector<1x300x300xbf16>
    %get3A_25 = vector.shape_cast %get3A_24 : vector<1x300x300xbf16> to vector<300x300xbf16>
    %dot_general3A_26 = arith.constant dense<0.000000e+00> : vector<256x300xf32>
    %dot_general3A_27 = tpu.matmul %get3A_20, %get3A_25, %dot_general3A_26 {dimension_numbers = #tpu.dot_dimension_numbers<[1], [0], [0], [1], [0, 0, 1, 1], [], []>, transpose_lhs_hint = false} : vector<256x300xbf16>, vector<300x300xbf16>, vector<256x300xf32> -> vector<256x300xf32>
    %get3A_28 = arith.constant 5 : index
    %get3A_29 = arith.constant 0 : index
    %get3A_30 = vector.load %arg7[%get3A_28, %get3A_29] : memref<10x300xf32, #tpu.memory_space<vmem>>, vector<1x300xf32>
    %add3A_31 = vector.broadcast %get3A_30 : vector<1x300xf32> to vector<256x300xf32>
    %add3A_32 = arith.addf %dot_general3A_27, %add3A_31 : vector<256x300xf32>
    %swap3A_33 = arith.constant 256 : index
    %swap3A_34 = arith.constant 0 : index
    %swap3A_35 = vector.load %arg8[%swap3A_33, %swap3A_34] : memref<512x384xf32, #tpu.memory_space<vmem>>, vector<256x300xf32>
    tpu.vector_store %arg8[%swap3A_33, %swap3A_34], %add3A_32 {strides = array<i32>} : memref<512x384xf32, #tpu.memory_space<vmem>>, vector<256x300xf32>,
    %get3A_36 = arith.constant 1 : index
    %get3A_37 = arith.constant 0 : index
    %get3A_38 = vector.load %arg3[%get3A_36, %get3A_37] : memref<2x4096xi32, #tpu.memory_space<vmem>>, vector<1x4096xi32>
    %swap3A_39 = arith.constant 0 : index
    %swap3A_40 = arith.constant 0 : index
    %swap3A_41 = vector.load %arg9[%swap3A_39, %swap3A_40] : memref<2x4096xi32, #tpu.memory_space<vmem>>, vector<1x4096xi32>
    tpu.vector_store %arg9[%swap3A_39, %swap3A_40], %get3A_38 {strides = array<i32>} : memref<2x4096xi32, #tpu.memory_space<vmem>>, vector<1x4096xi32>,
    %get3A_42 = arith.constant 1 : index
    %get3A_43 = arith.constant 0 : index
    %get3A_44 = vector.load %arg4[%get3A_42, %get3A_43] : memref<2x4096xi32, #tpu.memory_space<vmem>>, vector<1x4096xi32>
    %add3A_45 = arith.constant 256 : i32
    %add3A_46 = vector.broadcast %add3A_45 : i32 to vector<1x4096xi32>
    %add3A_47 = arith.addi %get3A_44, %add3A_46 : vector<1x4096xi32>
    %swap3A_48 = arith.constant 1 : index
    %swap3A_49 = arith.constant 0 : index
    %swap3A_50 = vector.load %arg9[%swap3A_48, %swap3A_49] : memref<2x4096xi32, #tpu.memory_space<vmem>>, vector<1x4096xi32>
    tpu.vector_store %arg9[%swap3A_48, %swap3A_49], %add3A_47 {strides = array<i32>} : memref<2x4096xi32, #tpu.memory_space<vmem>>, vector<1x4096xi32>,
    return
  }
  func.func @transform_0(%arg0: i32) -> (i32, i32) {
    %c0_i32 = arith.constant 0 : i32
    %c0_i32_0 = arith.constant 0 : i32
    %c0_i32_1 = arith.constant 0 : i32
    return %c0_i32, %c0_i32_0 : i32, i32
  }
  func.func @transform_1(%arg0: i32) -> (i32, i32) {
    %c0_i32 = arith.constant 0 : i32
    %c0_i32_0 = arith.constant 0 : i32
    %c0_i32_1 = arith.constant 0 : i32
    return %c0_i32, %c0_i32_0 : i32, i32
  }
  func.func @transform_2(%arg0: i32) -> (i32, i32) {
    %c0_i32 = arith.constant 0 : i32
    %c0_i32_0 = arith.constant 0 : i32
    %c0_i32_1 = arith.constant 0 : i32
    return %c0_i32, %c0_i32_0 : i32, i32
  }
  func.func @transform_3(%arg0: i32) -> (i32, i32) {
    %c0_i32 = arith.constant 0 : i32
    %c0_i32_0 = arith.constant 0 : i32
    %c0_i32_1 = arith.constant 0 : i32
    return %c0_i32, %c0_i32_0 : i32, i32
  }
  func.func @transform_4(%arg0: i32) -> (i32, i32, i32) {
    %c0_i32 = arith.constant 0 : i32
    %c0_i32_0 = arith.constant 0 : i32
    %c0_i32_1 = arith.constant 0 : i32
    %c0_i32_2 = arith.constant 0 : i32
    return %c0_i32, %c0_i32_0, %c0_i32_1 : i32, i32, i32
  }
  func.func @transform_5(%arg0: i32) -> (i32, i32, i32) {
    %c5_i32 = arith.constant 5 : i32
    %c0_i32 = arith.constant 0 : i32
    %c0_i32_0 = arith.constant 0 : i32
    %c0_i32_1 = arith.constant 0 : i32
    return %c5_i32, %c0_i32, %c0_i32_0 : i32, i32, i32
  }
  func.func @transform_6(%arg0: i32) -> (i32, i32) {
    %c0_i32 = arith.constant 0 : i32
    %c0_i32_0 = arith.constant 0 : i32
    %c0_i32_1 = arith.constant 0 : i32
    return %c0_i32, %c0_i32_0 : i32, i32
  }
  func.func @transform_7(%arg0: i32) -> (i32, i32) {
    %c0_i32 = arith.constant 0 : i32
    %c0_i32_0 = arith.constant 0 : i32
    %c0_i32_1 = arith.constant 0 : i32
    return %c0_i32, %c0_i32_0 : i32, i32
  }
  func.func @transform_8(%arg0: i32) -> (i32, i32) {
    %c0_i32 = arith.constant 0 : i32
    %c0_i32_0 = arith.constant 0 : i32
    %c0_i32_1 = arith.constant 0 : i32
    return %c0_i32, %c0_i32_0 : i32, i32
  }
}

module attributes {stable_mosaic.version = 14 : i64} {
  func.func @_prekvse_body(%arg0: memref<256x300xbf16, #tpu.memory_space<vmem>>, %arg1: memref<256x300xbf16, #tpu.memory_space<vmem>>, %arg2: memref<4096x300xf32, #tpu.memory_space<vmem>>, %arg3: memref<4096x300xf32, #tpu.memory_space<vmem>>, %arg4: memref<10x300x300xbf16, #tpu.memory_space<vmem>>, %arg5: memref<10x300xf32, #tpu.memory_space<vmem>>, %arg6: memref<1536x384xf32, #tpu.memory_space<vmem>>, %arg7: memref<4096x384xbf16, #tpu.memory_space<vmem>>, %arg8: memref<4096x384xbf16, #tpu.memory_space<vmem>>) attributes {dimension_semantics = [], scalar_prefetch = 0 : i64, scratch_operands = 0 : i64, tpu.core_type = #tpu.core_type<tc>} {
    %broadcast_in_dim3A = arith.constant 0.000000e+00 : f32
    %broadcast_in_dim3A_0 = vector.broadcast %broadcast_in_dim3A : f32 to vector<1536x84xf32>
    %swap3A = arith.constant 0 : index
    %swap3A_1 = arith.constant 300 : index
    %swap3A_2 = vector.load %arg6[%swap3A, %swap3A_1] : memref<1536x384xf32, #tpu.memory_space<vmem>>, vector<1536x84xf32>
    tpu.vector_store %arg6[%swap3A, %swap3A_1], %broadcast_in_dim3A_0 {strides = array<i32>} : memref<1536x384xf32, #tpu.memory_space<vmem>>, vector<1536x84xf32>,
    %get3A = arith.constant 0 : index
    %get3A_3 = arith.constant 0 : index
    %get3A_4 = vector.load %arg0[%get3A, %get3A_3] : memref<256x300xbf16, #tpu.memory_space<vmem>>, vector<256x300xbf16>
    %get3A_5 = arith.constant 1 : index
    %get3A_6 = arith.constant 0 : index
    %get3A_7 = arith.constant 0 : index
    %get3A_8 = vector.load %arg4[%get3A_5, %get3A_6, %get3A_7] : memref<10x300x300xbf16, #tpu.memory_space<vmem>>, vector<1x300x300xbf16>
    %get3A_9 = vector.shape_cast %get3A_8 : vector<1x300x300xbf16> to vector<300x300xbf16>
    %dot_general3A = arith.constant dense<0.000000e+00> : vector<256x300xf32>
    %dot_general3A_10 = tpu.matmul %get3A_4, %get3A_9, %dot_general3A {dimension_numbers = #tpu.dot_dimension_numbers<[1], [0], [0], [1], [0, 0, 1, 1], [], []>, transpose_lhs_hint = false} : vector<256x300xbf16>, vector<300x300xbf16>, vector<256x300xf32> -> vector<256x300xf32>
    %get3A_11 = arith.constant 1 : index
    %get3A_12 = arith.constant 0 : index
    %get3A_13 = vector.load %arg5[%get3A_11, %get3A_12] : memref<10x300xf32, #tpu.memory_space<vmem>>, vector<1x300xf32>
    %add3A = vector.broadcast %get3A_13 : vector<1x300xf32> to vector<256x300xf32>
    %add3A_14 = arith.addf %dot_general3A_10, %add3A : vector<256x300xf32>
    %swap3A_15 = arith.constant 0 : index
    %swap3A_16 = arith.constant 0 : index
    %swap3A_17 = vector.load %arg6[%swap3A_15, %swap3A_16] : memref<1536x384xf32, #tpu.memory_space<vmem>>, vector<256x300xf32>
    tpu.vector_store %arg6[%swap3A_15, %swap3A_16], %add3A_14 {strides = array<i32>} : memref<1536x384xf32, #tpu.memory_space<vmem>>, vector<256x300xf32>,
    %get3A_18 = arith.constant 2 : index
    %get3A_19 = arith.constant 0 : index
    %get3A_20 = arith.constant 0 : index
    %get3A_21 = vector.load %arg4[%get3A_18, %get3A_19, %get3A_20] : memref<10x300x300xbf16, #tpu.memory_space<vmem>>, vector<1x300x300xbf16>
    %get3A_22 = vector.shape_cast %get3A_21 : vector<1x300x300xbf16> to vector<300x300xbf16>
    %dot_general3A_23 = arith.constant dense<0.000000e+00> : vector<256x300xf32>
    %dot_general3A_24 = tpu.matmul %get3A_4, %get3A_22, %dot_general3A_23 {dimension_numbers = #tpu.dot_dimension_numbers<[1], [0], [0], [1], [0, 0, 1, 1], [], []>, transpose_lhs_hint = false} : vector<256x300xbf16>, vector<300x300xbf16>, vector<256x300xf32> -> vector<256x300xf32>
    %get3A_25 = arith.constant 2 : index
    %get3A_26 = arith.constant 0 : index
    %get3A_27 = vector.load %arg5[%get3A_25, %get3A_26] : memref<10x300xf32, #tpu.memory_space<vmem>>, vector<1x300xf32>
    %add3A_28 = vector.broadcast %get3A_27 : vector<1x300xf32> to vector<256x300xf32>
    %add3A_29 = arith.addf %dot_general3A_24, %add3A_28 : vector<256x300xf32>
    %swap3A_30 = arith.constant 256 : index
    %swap3A_31 = arith.constant 0 : index
    %swap3A_32 = vector.load %arg6[%swap3A_30, %swap3A_31] : memref<1536x384xf32, #tpu.memory_space<vmem>>, vector<256x300xf32>
    tpu.vector_store %arg6[%swap3A_30, %swap3A_31], %add3A_29 {strides = array<i32>} : memref<1536x384xf32, #tpu.memory_space<vmem>>, vector<256x300xf32>,
    %get3A_33 = arith.constant 3 : index
    %get3A_34 = arith.constant 0 : index
    %get3A_35 = arith.constant 0 : index
    %get3A_36 = vector.load %arg4[%get3A_33, %get3A_34, %get3A_35] : memref<10x300x300xbf16, #tpu.memory_space<vmem>>, vector<1x300x300xbf16>
    %get3A_37 = vector.shape_cast %get3A_36 : vector<1x300x300xbf16> to vector<300x300xbf16>
    %dot_general3A_38 = arith.constant dense<0.000000e+00> : vector<256x300xf32>
    %dot_general3A_39 = tpu.matmul %get3A_4, %get3A_37, %dot_general3A_38 {dimension_numbers = #tpu.dot_dimension_numbers<[1], [0], [0], [1], [0, 0, 1, 1], [], []>, transpose_lhs_hint = false} : vector<256x300xbf16>, vector<300x300xbf16>, vector<256x300xf32> -> vector<256x300xf32>
    %get3A_40 = arith.constant 3 : index
    %get3A_41 = arith.constant 0 : index
    %get3A_42 = vector.load %arg5[%get3A_40, %get3A_41] : memref<10x300xf32, #tpu.memory_space<vmem>>, vector<1x300xf32>
    %add3A_43 = vector.broadcast %get3A_42 : vector<1x300xf32> to vector<256x300xf32>
    %add3A_44 = arith.addf %dot_general3A_39, %add3A_43 : vector<256x300xf32>
    %swap3A_45 = arith.constant 512 : index
    %swap3A_46 = arith.constant 0 : index
    %swap3A_47 = vector.load %arg6[%swap3A_45, %swap3A_46] : memref<1536x384xf32, #tpu.memory_space<vmem>>, vector<256x300xf32>
    tpu.vector_store %arg6[%swap3A_45, %swap3A_46], %add3A_44 {strides = array<i32>} : memref<1536x384xf32, #tpu.memory_space<vmem>>, vector<256x300xf32>,
    %get3A_48 = arith.constant 0 : index
    %get3A_49 = arith.constant 0 : index
    %get3A_50 = vector.load %arg1[%get3A_48, %get3A_49] : memref<256x300xbf16, #tpu.memory_space<vmem>>, vector<256x300xbf16>
    %get3A_51 = arith.constant 6 : index
    %get3A_52 = arith.constant 0 : index
    %get3A_53 = arith.constant 0 : index
    %get3A_54 = vector.load %arg4[%get3A_51, %get3A_52, %get3A_53] : memref<10x300x300xbf16, #tpu.memory_space<vmem>>, vector<1x300x300xbf16>
    %get3A_55 = vector.shape_cast %get3A_54 : vector<1x300x300xbf16> to vector<300x300xbf16>
    %dot_general3A_56 = arith.constant dense<0.000000e+00> : vector<256x300xf32>
    %dot_general3A_57 = tpu.matmul %get3A_50, %get3A_55, %dot_general3A_56 {dimension_numbers = #tpu.dot_dimension_numbers<[1], [0], [0], [1], [0, 0, 1, 1], [], []>, transpose_lhs_hint = false} : vector<256x300xbf16>, vector<300x300xbf16>, vector<256x300xf32> -> vector<256x300xf32>
    %get3A_58 = arith.constant 6 : index
    %get3A_59 = arith.constant 0 : index
    %get3A_60 = vector.load %arg5[%get3A_58, %get3A_59] : memref<10x300xf32, #tpu.memory_space<vmem>>, vector<1x300xf32>
    %add3A_61 = vector.broadcast %get3A_60 : vector<1x300xf32> to vector<256x300xf32>
    %add3A_62 = arith.addf %dot_general3A_57, %add3A_61 : vector<256x300xf32>
    %swap3A_63 = arith.constant 768 : index
    %swap3A_64 = arith.constant 0 : index
    %swap3A_65 = vector.load %arg6[%swap3A_63, %swap3A_64] : memref<1536x384xf32, #tpu.memory_space<vmem>>, vector<256x300xf32>
    tpu.vector_store %arg6[%swap3A_63, %swap3A_64], %add3A_62 {strides = array<i32>} : memref<1536x384xf32, #tpu.memory_space<vmem>>, vector<256x300xf32>,
    %get3A_66 = arith.constant 7 : index
    %get3A_67 = arith.constant 0 : index
    %get3A_68 = arith.constant 0 : index
    %get3A_69 = vector.load %arg4[%get3A_66, %get3A_67, %get3A_68] : memref<10x300x300xbf16, #tpu.memory_space<vmem>>, vector<1x300x300xbf16>
    %get3A_70 = vector.shape_cast %get3A_69 : vector<1x300x300xbf16> to vector<300x300xbf16>
    %dot_general3A_71 = arith.constant dense<0.000000e+00> : vector<256x300xf32>
    %dot_general3A_72 = tpu.matmul %get3A_50, %get3A_70, %dot_general3A_71 {dimension_numbers = #tpu.dot_dimension_numbers<[1], [0], [0], [1], [0, 0, 1, 1], [], []>, transpose_lhs_hint = false} : vector<256x300xbf16>, vector<300x300xbf16>, vector<256x300xf32> -> vector<256x300xf32>
    %get3A_73 = arith.constant 7 : index
    %get3A_74 = arith.constant 0 : index
    %get3A_75 = vector.load %arg5[%get3A_73, %get3A_74] : memref<10x300xf32, #tpu.memory_space<vmem>>, vector<1x300xf32>
    %add3A_76 = vector.broadcast %get3A_75 : vector<1x300xf32> to vector<256x300xf32>
    %add3A_77 = arith.addf %dot_general3A_72, %add3A_76 : vector<256x300xf32>
    %swap3A_78 = arith.constant 1024 : index
    %swap3A_79 = arith.constant 0 : index
    %swap3A_80 = vector.load %arg6[%swap3A_78, %swap3A_79] : memref<1536x384xf32, #tpu.memory_space<vmem>>, vector<256x300xf32>
    tpu.vector_store %arg6[%swap3A_78, %swap3A_79], %add3A_77 {strides = array<i32>} : memref<1536x384xf32, #tpu.memory_space<vmem>>, vector<256x300xf32>,
    %get3A_81 = arith.constant 8 : index
    %get3A_82 = arith.constant 0 : index
    %get3A_83 = arith.constant 0 : index
    %get3A_84 = vector.load %arg4[%get3A_81, %get3A_82, %get3A_83] : memref<10x300x300xbf16, #tpu.memory_space<vmem>>, vector<1x300x300xbf16>
    %get3A_85 = vector.shape_cast %get3A_84 : vector<1x300x300xbf16> to vector<300x300xbf16>
    %dot_general3A_86 = arith.constant dense<0.000000e+00> : vector<256x300xf32>
    %dot_general3A_87 = tpu.matmul %get3A_50, %get3A_85, %dot_general3A_86 {dimension_numbers = #tpu.dot_dimension_numbers<[1], [0], [0], [1], [0, 0, 1, 1], [], []>, transpose_lhs_hint = false} : vector<256x300xbf16>, vector<300x300xbf16>, vector<256x300xf32> -> vector<256x300xf32>
    %get3A_88 = arith.constant 8 : index
    %get3A_89 = arith.constant 0 : index
    %get3A_90 = vector.load %arg5[%get3A_88, %get3A_89] : memref<10x300xf32, #tpu.memory_space<vmem>>, vector<1x300xf32>
    %add3A_91 = vector.broadcast %get3A_90 : vector<1x300xf32> to vector<256x300xf32>
    %add3A_92 = arith.addf %dot_general3A_87, %add3A_91 : vector<256x300xf32>
    %swap3A_93 = arith.constant 1280 : index
    %swap3A_94 = arith.constant 0 : index
    %swap3A_95 = vector.load %arg6[%swap3A_93, %swap3A_94] : memref<1536x384xf32, #tpu.memory_space<vmem>>, vector<256x300xf32>
    tpu.vector_store %arg6[%swap3A_93, %swap3A_94], %add3A_92 {strides = array<i32>} : memref<1536x384xf32, #tpu.memory_space<vmem>>, vector<256x300xf32>,
    %broadcast_in_dim3A_96 = arith.constant 0.000000e+00 : bf16
    %broadcast_in_dim3A_97 = vector.broadcast %broadcast_in_dim3A_96 : bf16 to vector<4096x84xbf16>
    %swap3A_98 = arith.constant 0 : index
    %swap3A_99 = arith.constant 300 : index
    %swap3A_100 = vector.load %arg7[%swap3A_98, %swap3A_99] : memref<4096x384xbf16, #tpu.memory_space<vmem>>, vector<4096x84xbf16>
    tpu.vector_store %arg7[%swap3A_98, %swap3A_99], %broadcast_in_dim3A_97 {strides = array<i32>} : memref<4096x384xbf16, #tpu.memory_space<vmem>>, vector<4096x84xbf16>,
    %get3A_101 = arith.constant 0 : index
    %get3A_102 = arith.constant 0 : index
    %get3A_103 = vector.load %arg2[%get3A_101, %get3A_102] : memref<4096x300xf32, #tpu.memory_space<vmem>>, vector<4096x300xf32>
    %get3A_104 = arith.constant 4 : index
    %get3A_105 = arith.constant 0 : index
    %get3A_106 = arith.constant 0 : index
    %get3A_107 = vector.load %arg4[%get3A_104, %get3A_105, %get3A_106] : memref<10x300x300xbf16, #tpu.memory_space<vmem>>, vector<1x300x300xbf16>
    %get3A_108 = vector.shape_cast %get3A_107 : vector<1x300x300xbf16> to vector<300x300xbf16>
    %convert_element_type3A = arith.truncf %get3A_103 : vector<4096x300xf32> to vector<4096x300xbf16>
    %dot_general3A_109 = arith.constant dense<0.000000e+00> : vector<4096x300xf32>
    %dot_general3A_110 = tpu.matmul %convert_element_type3A, %get3A_108, %dot_general3A_109 {dimension_numbers = #tpu.dot_dimension_numbers<[1], [0], [0], [1], [0, 0, 1, 1], [], []>, transpose_lhs_hint = false} : vector<4096x300xbf16>, vector<300x300xbf16>, vector<4096x300xf32> -> vector<4096x300xf32>
    %get3A_111 = arith.constant 4 : index
    %get3A_112 = arith.constant 0 : index
    %get3A_113 = vector.load %arg5[%get3A_111, %get3A_112] : memref<10x300xf32, #tpu.memory_space<vmem>>, vector<1x300xf32>
    %add3A_114 = vector.broadcast %get3A_113 : vector<1x300xf32> to vector<4096x300xf32>
    %add3A_115 = arith.addf %dot_general3A_110, %add3A_114 : vector<4096x300xf32>
    %convert_element_type3A_116 = arith.truncf %add3A_115 : vector<4096x300xf32> to vector<4096x300xbf16>
    %swap3A_117 = arith.constant 0 : index
    %swap3A_118 = arith.constant 0 : index
    %swap3A_119 = vector.load %arg7[%swap3A_117, %swap3A_118] : memref<4096x384xbf16, #tpu.memory_space<vmem>>, vector<4096x300xbf16>
    tpu.vector_store %arg7[%swap3A_117, %swap3A_118], %convert_element_type3A_116 {strides = array<i32>} : memref<4096x384xbf16, #tpu.memory_space<vmem>>, vector<4096x300xbf16>,
    %broadcast_in_dim3A_120 = arith.constant 0.000000e+00 : bf16
    %broadcast_in_dim3A_121 = vector.broadcast %broadcast_in_dim3A_120 : bf16 to vector<4096x84xbf16>
    %swap3A_122 = arith.constant 0 : index
    %swap3A_123 = arith.constant 300 : index
    %swap3A_124 = vector.load %arg8[%swap3A_122, %swap3A_123] : memref<4096x384xbf16, #tpu.memory_space<vmem>>, vector<4096x84xbf16>
    tpu.vector_store %arg8[%swap3A_122, %swap3A_123], %broadcast_in_dim3A_121 {strides = array<i32>} : memref<4096x384xbf16, #tpu.memory_space<vmem>>, vector<4096x84xbf16>,
    %get3A_125 = arith.constant 0 : index
    %get3A_126 = arith.constant 0 : index
    %get3A_127 = vector.load %arg3[%get3A_125, %get3A_126] : memref<4096x300xf32, #tpu.memory_space<vmem>>, vector<4096x300xf32>
    %get3A_128 = arith.constant 9 : index
    %get3A_129 = arith.constant 0 : index
    %get3A_130 = arith.constant 0 : index
    %get3A_131 = vector.load %arg4[%get3A_128, %get3A_129, %get3A_130] : memref<10x300x300xbf16, #tpu.memory_space<vmem>>, vector<1x300x300xbf16>
    %get3A_132 = vector.shape_cast %get3A_131 : vector<1x300x300xbf16> to vector<300x300xbf16>
    %convert_element_type3A_133 = arith.truncf %get3A_127 : vector<4096x300xf32> to vector<4096x300xbf16>
    %dot_general3A_134 = arith.constant dense<0.000000e+00> : vector<4096x300xf32>
    %dot_general3A_135 = tpu.matmul %convert_element_type3A_133, %get3A_132, %dot_general3A_134 {dimension_numbers = #tpu.dot_dimension_numbers<[1], [0], [0], [1], [0, 0, 1, 1], [], []>, transpose_lhs_hint = false} : vector<4096x300xbf16>, vector<300x300xbf16>, vector<4096x300xf32> -> vector<4096x300xf32>
    %get3A_136 = arith.constant 9 : index
    %get3A_137 = arith.constant 0 : index
    %get3A_138 = vector.load %arg5[%get3A_136, %get3A_137] : memref<10x300xf32, #tpu.memory_space<vmem>>, vector<1x300xf32>
    %add3A_139 = vector.broadcast %get3A_138 : vector<1x300xf32> to vector<4096x300xf32>
    %add3A_140 = arith.addf %dot_general3A_135, %add3A_139 : vector<4096x300xf32>
    %convert_element_type3A_141 = arith.truncf %add3A_140 : vector<4096x300xf32> to vector<4096x300xbf16>
    %swap3A_142 = arith.constant 0 : index
    %swap3A_143 = arith.constant 0 : index
    %swap3A_144 = vector.load %arg8[%swap3A_142, %swap3A_143] : memref<4096x384xbf16, #tpu.memory_space<vmem>>, vector<4096x300xbf16>
    tpu.vector_store %arg8[%swap3A_142, %swap3A_143], %convert_element_type3A_141 {strides = array<i32>} : memref<4096x384xbf16, #tpu.memory_space<vmem>>, vector<4096x300xbf16>,
    return
  }
}

module attributes {stable_mosaic.version = 14 : i64} {
  func.func @_fin_body(%arg0: i32, %arg1: memref<4096x384xf32, #tpu.memory_space<vmem>>, %arg2: memref<256x384xf32, #tpu.memory_space<vmem>>, %arg3: memref<256x384xf32, #tpu.memory_space<vmem>>, %arg4: memref<256x384xf32, #tpu.memory_space<vmem>>, %arg5: memref<256x384xf32, #tpu.memory_space<vmem>>, %arg6: memref<4096x384xbf16, #tpu.memory_space<vmem>>, %arg7: memref<2x4096xi32, #tpu.memory_space<vmem>>, %arg8: memref<256x300xf32, #tpu.memory_space<vmem>>) attributes {dimension_semantics = [#tpu.dimension_semantics<arbitrary>], iteration_bounds = array<i64: 1>, scalar_prefetch = 0 : i64, scratch_operands = 0 : i64, tpu.core_type = #tpu.core_type<tc>, window_params = [{pipeline_mode = #tpu.pipeline_mode<synchronous>, transform_indices = @transform_0, window_bounds = array<i64: 4096, 384>}, {transform_indices = @transform_1, window_bounds = array<i64: 256, 384>}, {transform_indices = @transform_2, window_bounds = array<i64: 256, 384>}, {transform_indices = @transform_3, window_bounds = array<i64: 256, 384>}, {transform_indices = @transform_4, window_bounds = array<i64: 256, 384>}, {pipeline_mode = #tpu.pipeline_mode<synchronous>, transform_indices = @transform_5, window_bounds = array<i64: 4096, 384>}, {pipeline_mode = #tpu.pipeline_mode<synchronous>, transform_indices = @transform_6, window_bounds = array<i64: 2, 4096>}, {pipeline_mode = #tpu.pipeline_mode<synchronous>, transform_indices = @transform_7, window_bounds = array<i64: 256, 300>}]} {
    %get3A = arith.constant 0 : index
    %get3A_0 = arith.constant 0 : index
    %get3A_1 = vector.load %arg6[%get3A, %get3A_0] : memref<4096x384xbf16, #tpu.memory_space<vmem>>, vector<4096x384xbf16>
    %get3A_2 = arith.constant 0 : index
    %get3A_3 = arith.constant 0 : index
    %get3A_4 = vector.load %arg1[%get3A_2, %get3A_3] : memref<4096x384xf32, #tpu.memory_space<vmem>>, vector<4096x384xf32>
    %get3A_5 = arith.constant 0 : index
    %get3A_6 = arith.constant 0 : index
    %get3A_7 = vector.load %arg7[%get3A_5, %get3A_6] : memref<2x4096xi32, #tpu.memory_space<vmem>>, vector<1x4096xi32>
    %get3A_8 = arith.constant 1 : index
    %get3A_9 = arith.constant 0 : index
    %get3A_10 = vector.load %arg7[%get3A_8, %get3A_9] : memref<2x4096xi32, #tpu.memory_space<vmem>>, vector<1x4096xi32>
    %iota3A = tpu.iota {dimensions = array<i32: 0>} : vector<256x4096xi32>
    %eq3A = vector.broadcast %get3A_7 : vector<1x4096xi32> to vector<256x4096xi32>
    %eq3A_11 = arith.cmpi eq, %iota3A, %eq3A : vector<256x4096xi32>
    %convert_element_type3A = arith.extui %eq3A_11 : vector<256x4096xi1> to vector<256x4096xi32>
    %convert_element_type3A_12 = arith.sitofp %convert_element_type3A : vector<256x4096xi32> to vector<256x4096xf32>
    %convert_element_type3A_13 = arith.truncf %convert_element_type3A_12 : vector<256x4096xf32> to vector<256x4096xbf16>
    %eq3A_14 = vector.broadcast %get3A_10 : vector<1x4096xi32> to vector<256x4096xi32>
    %eq3A_15 = arith.cmpi eq, %iota3A, %eq3A_14 : vector<256x4096xi32>
    %get3A_16 = arith.constant 0 : index
    %get3A_17 = arith.constant 0 : index
    %get3A_18 = vector.load %arg2[%get3A_16, %get3A_17] : memref<256x384xf32, #tpu.memory_space<vmem>>, vector<256x384xf32>
    %get3A_19 = arith.constant 0 : index
    %get3A_20 = arith.constant 0 : index
    %get3A_21 = vector.load %arg3[%get3A_19, %get3A_20] : memref<256x384xf32, #tpu.memory_space<vmem>>, vector<256x384xf32>
    %convert_element_type3A_22 = arith.truncf %get3A_18 : vector<256x384xf32> to vector<256x384xbf16>
    %convert_element_type3A_23 = arith.truncf %get3A_21 : vector<256x384xf32> to vector<256x384xbf16>
    %dot_general3A = arith.constant dense<0.000000e+00> : vector<256x256xf32>
    %dot_general3A_24 = tpu.matmul %convert_element_type3A_22, %convert_element_type3A_23, %dot_general3A {dimension_numbers = #tpu.dot_dimension_numbers<[1], [1], [0], [0], [0, 0, 1, 0], [], []>, transpose_lhs_hint = false} : vector<256x384xbf16>, vector<256x384xbf16>, vector<256x256xf32> -> vector<256x256xf32>
    %convert_element_type3A_25 = arith.truncf %dot_general3A_24 : vector<256x256xf32> to vector<256x256xbf16>
    %dot_general3A_26 = arith.constant dense<0.000000e+00> : vector<256x4096xf32>
    %dot_general3A_27 = tpu.matmul %convert_element_type3A_25, %convert_element_type3A_13, %dot_general3A_26 {dimension_numbers = #tpu.dot_dimension_numbers<[1], [0], [0], [1], [0, 0, 1, 1], [], []>, transpose_lhs_hint = false} : vector<256x256xbf16>, vector<256x4096xbf16>, vector<256x4096xf32> -> vector<256x4096xf32>
    %jit3A = arith.constant 0.000000e+00 : f32
    %broadcast_in_dim3A = vector.broadcast %jit3A : f32 to vector<256x4096xf32>
    %select_n3A = arith.select %eq3A_15, %dot_general3A_27, %broadcast_in_dim3A : vector<256x4096xi1>, vector<256x4096xf32>
    %reduce_sum3A = arith.constant dense<0.000000e+00> : vector<4096xf32>
    %reduce_sum3A_28 = vector.multi_reduction <add>, %select_n3A, %reduce_sum3A [0] : vector<256x4096xf32> to vector<4096xf32>
    %broadcast_in_dim3A_29 = vector.shape_cast %reduce_sum3A_28 : vector<4096xf32> to vector<1x4096xf32>
    %broadcast_in_dim3A_30 = arith.constant 1.000000e+00 : f32
    %broadcast_in_dim3A_31 = vector.broadcast %broadcast_in_dim3A_30 : f32 to vector<1x384xf32>
    %convert_element_type3A_32 = arith.extf %get3A_1 : vector<4096x384xbf16> to vector<4096x384xf32>
    %mul3A = arith.mulf %get3A_4, %convert_element_type3A_32 : vector<4096x384xf32>
    %convert_element_type3A_33 = arith.truncf %broadcast_in_dim3A_31 : vector<1x384xf32> to vector<1x384xbf16>
    %convert_element_type3A_34 = arith.truncf %mul3A : vector<4096x384xf32> to vector<4096x384xbf16>
    %dot_general3A_35 = arith.constant dense<0.000000e+00> : vector<1x4096xf32>
    %dot_general3A_36 = tpu.matmul %convert_element_type3A_33, %convert_element_type3A_34, %dot_general3A_35 {dimension_numbers = #tpu.dot_dimension_numbers<[1], [1], [0], [0], [0, 0, 1, 0], [], []>, transpose_lhs_hint = false} : vector<1x384xbf16>, vector<4096x384xbf16>, vector<1x4096xf32> -> vector<1x4096xf32>
    %add3A = arith.addf %broadcast_in_dim3A_29, %dot_general3A_36 : vector<1x4096xf32>
    %mul3A_37 = arith.constant 0.0577350259 : f32
    %mul3A_38 = vector.broadcast %mul3A_37 : f32 to vector<1x4096xf32>
    %mul3A_39 = arith.mulf %add3A, %mul3A_38 : vector<1x4096xf32>
    %jit3A_40 = arith.constant 0xFF800000 : f32
    %broadcast_in_dim3A_41 = vector.shape_cast %mul3A_39 : vector<1x4096xf32> to vector<1x4096xf32>
    %broadcast_in_dim3A_42 = vector.broadcast %broadcast_in_dim3A_41 : vector<1x4096xf32> to vector<256x4096xf32>
    %broadcast_in_dim3A_43 = vector.broadcast %jit3A_40 : f32 to vector<256x4096xf32>
    %select_n3A_44 = arith.select %eq3A_15, %broadcast_in_dim3A_42, %broadcast_in_dim3A_43 : vector<256x4096xi1>, vector<256x4096xf32>
    %reduce_max3A = arith.constant dense<0xFF800000> : vector<256xf32>
    %reduce_max3A_45 = vector.multi_reduction <maximumf>, %select_n3A_44, %reduce_max3A [1] : vector<256x4096xf32> to vector<256xf32>
    %broadcast_in_dim3A_46 = vector.shape_cast %reduce_max3A_45 : vector<256xf32> to vector<256x1xf32>
    %eq3A_47 = arith.constant 0xFF800000 : f32
    %eq3A_48 = vector.broadcast %eq3A_47 : f32 to vector<256x1xf32>
    %eq3A_49 = arith.cmpf oeq, %broadcast_in_dim3A_46, %eq3A_48 : vector<256x1xf32>
    %jit3A_50 = arith.constant 0.000000e+00 : f32
    %broadcast_in_dim3A_51 = vector.broadcast %jit3A_50 : f32 to vector<256x1xf32>
    %select_n3A_52 = arith.select %eq3A_49, %broadcast_in_dim3A_51, %broadcast_in_dim3A_46 : vector<256x1xi1>, vector<256x1xf32>
    %sub3A = vector.broadcast %select_n3A_52 : vector<256x1xf32> to vector<256x4096xf32>
    %sub3A_53 = arith.subf %select_n3A_44, %sub3A : vector<256x4096xf32>
    %exp3A = math.exp %sub3A_53 : vector<256x4096xf32>
    %reduce_sum3A_54 = arith.constant dense<0.000000e+00> : vector<256xf32>
    %reduce_sum3A_55 = vector.multi_reduction <add>, %exp3A, %reduce_sum3A_54 [1] : vector<256x4096xf32> to vector<256xf32>
    %broadcast_in_dim3A_56 = vector.shape_cast %reduce_sum3A_55 : vector<256xf32> to vector<256x1xf32>
    %add3A_57 = arith.constant 1.000000e-16 : f32
    %add3A_58 = vector.broadcast %add3A_57 : f32 to vector<256x1xf32>
    %add3A_59 = arith.addf %broadcast_in_dim3A_56, %add3A_58 : vector<256x1xf32>
    %div3A = vector.broadcast %add3A_59 : vector<256x1xf32> to vector<256x4096xf32>
    %div3A_60 = arith.divf %exp3A, %div3A : vector<256x4096xf32>
    %convert_element_type3A_61 = arith.truncf %div3A_60 : vector<256x4096xf32> to vector<256x4096xbf16>
    %dot_general3A_62 = arith.constant dense<0.000000e+00> : vector<256x256xf32>
    %dot_general3A_63 = tpu.matmul %convert_element_type3A_61, %convert_element_type3A_13, %dot_general3A_62 {dimension_numbers = #tpu.dot_dimension_numbers<[1], [1], [0], [0], [0, 0, 1, 0], [], []>, transpose_lhs_hint = false} : vector<256x4096xbf16>, vector<256x4096xbf16>, vector<256x256xf32> -> vector<256x256xf32>
    %get3A_64 = arith.constant 0 : index
    %get3A_65 = arith.constant 0 : index
    %get3A_66 = vector.load %arg4[%get3A_64, %get3A_65] : memref<256x384xf32, #tpu.memory_space<vmem>>, vector<256x384xf32>
    %convert_element_type3A_67 = arith.truncf %dot_general3A_63 : vector<256x256xf32> to vector<256x256xbf16>
    %convert_element_type3A_68 = arith.truncf %get3A_66 : vector<256x384xf32> to vector<256x384xbf16>
    %dot_general3A_69 = arith.constant dense<0.000000e+00> : vector<256x384xf32>
    %dot_general3A_70 = tpu.matmul %convert_element_type3A_67, %convert_element_type3A_68, %dot_general3A_69 {dimension_numbers = #tpu.dot_dimension_numbers<[1], [0], [0], [1], [0, 0, 1, 1], [], []>, transpose_lhs_hint = false} : vector<256x256xbf16>, vector<256x384xbf16>, vector<256x384xf32> -> vector<256x384xf32>
    %convert_element_type3A_71 = arith.truncf %div3A_60 : vector<256x4096xf32> to vector<256x4096xbf16>
    %dot_general3A_72 = arith.constant dense<0.000000e+00> : vector<256x384xf32>
    %dot_general3A_73 = tpu.matmul %convert_element_type3A_71, %get3A_1, %dot_general3A_72 {dimension_numbers = #tpu.dot_dimension_numbers<[1], [0], [0], [1], [0, 0, 1, 1], [], []>, transpose_lhs_hint = false} : vector<256x4096xbf16>, vector<4096x384xbf16>, vector<256x384xf32> -> vector<256x384xf32>
    %add3A_74 = arith.addf %dot_general3A_70, %dot_general3A_73 : vector<256x384xf32>
    %get3A_75 = arith.constant 0 : index
    %get3A_76 = arith.constant 0 : index
    %get3A_77 = vector.load %arg5[%get3A_75, %get3A_76] : memref<256x384xf32, #tpu.memory_space<vmem>>, vector<256x384xf32>
    %add3A_78 = arith.addf %add3A_74, %get3A_77 : vector<256x384xf32>
    %ge3A = arith.constant 0.000000e+00 : f32
    %ge3A_79 = vector.broadcast %ge3A : f32 to vector<256x384xf32>
    %ge3A_80 = arith.cmpf oge, %add3A_78, %ge3A_79 : vector<256x384xf32>
    %mul3A_81 = arith.constant 0.00999999977 : f32
    %mul3A_82 = vector.broadcast %mul3A_81 : f32 to vector<256x384xf32>
    %mul3A_83 = arith.mulf %mul3A_82, %add3A_78 : vector<256x384xf32>
    %select_n3A_84 = arith.select %ge3A_80, %add3A_78, %mul3A_83 : vector<256x384xi1>, vector<256x384xf32>
    %slice3A = vector.extract_strided_slice %select_n3A_84 {offsets = [0, 0], sizes = [256, 300], strides = [1, 1]} : vector<256x384xf32> to vector<256x300xf32>
    %swap3A = arith.constant 0 : index
    %swap3A_85 = arith.constant 0 : index
    %swap3A_86 = vector.load %arg8[%swap3A, %swap3A_85] : memref<256x300xf32, #tpu.memory_space<vmem>>, vector<256x300xf32>
    tpu.vector_store %arg8[%swap3A, %swap3A_85], %slice3A {strides = array<i32>} : memref<256x300xf32, #tpu.memory_space<vmem>>, vector<256x300xf32>,
    return
  }
  func.func @transform_0(%arg0: i32) -> (i32, i32) {
    %c0_i32 = arith.constant 0 : i32
    %c0_i32_0 = arith.constant 0 : i32
    %c0_i32_1 = arith.constant 0 : i32
    return %c0_i32, %c0_i32_0 : i32, i32
  }
  func.func @transform_1(%arg0: i32) -> (i32, i32) {
    %c0_i32 = arith.constant 0 : i32
    %c0_i32_0 = arith.constant 0 : i32
    %c0_i32_1 = arith.constant 0 : i32
    return %c0_i32, %c0_i32_0 : i32, i32
  }
  func.func @transform_2(%arg0: i32) -> (i32, i32) {
    %c0_i32 = arith.constant 0 : i32
    %c0_i32_0 = arith.constant 0 : i32
    %c0_i32_1 = arith.constant 0 : i32
    return %c0_i32, %c0_i32_0 : i32, i32
  }
  func.func @transform_3(%arg0: i32) -> (i32, i32) {
    %c1_i32 = arith.constant 1 : i32
    %c0_i32 = arith.constant 0 : i32
    %c0_i32_0 = arith.constant 0 : i32
    return %c1_i32, %c0_i32 : i32, i32
  }
  func.func @transform_4(%arg0: i32) -> (i32, i32) {
    %c2_i32 = arith.constant 2 : i32
    %c0_i32 = arith.constant 0 : i32
    %c0_i32_0 = arith.constant 0 : i32
    return %c2_i32, %c0_i32 : i32, i32
  }
  func.func @transform_5(%arg0: i32) -> (i32, i32) {
    %c0_i32 = arith.constant 0 : i32
    %c0_i32_0 = arith.constant 0 : i32
    %c0_i32_1 = arith.constant 0 : i32
    return %c0_i32, %c0_i32_0 : i32, i32
  }
  func.func @transform_6(%arg0: i32) -> (i32, i32) {
    %c0_i32 = arith.constant 0 : i32
    %c0_i32_0 = arith.constant 0 : i32
    %c0_i32_1 = arith.constant 0 : i32
    return %c0_i32, %c0_i32_0 : i32, i32
  }
  func.func @transform_7(%arg0: i32) -> (i32, i32) {
    %c0_i32 = arith.constant 0 : i32
    %c0_i32_0 = arith.constant 0 : i32
    %c0_i32_1 = arith.constant 0 : i32
    return %c0_i32, %c0_i32_0 : i32, i32
  }
}

module attributes {stable_mosaic.version = 14 : i64} {
  func.func @_fin2cross_body(%arg0: i32, %arg1: memref<256x300xf32, #tpu.memory_space<vmem>>, %arg2: memref<4096x384xf32, #tpu.memory_space<vmem>>, %arg3: memref<256x384xf32, #tpu.memory_space<vmem>>, %arg4: memref<256x384xf32, #tpu.memory_space<vmem>>, %arg5: memref<256x384xf32, #tpu.memory_space<vmem>>, %arg6: memref<256x384xf32, #tpu.memory_space<vmem>>, %arg7: memref<4096x384xbf16, #tpu.memory_space<vmem>>, %arg8: memref<2x4096xi32, #tpu.memory_space<vmem>>, %arg9: memref<10x300x300xbf16, #tpu.memory_space<vmem>>, %arg10: memref<10x300xf32, #tpu.memory_space<vmem>>, %arg11: memref<600x600xf32, #tpu.memory_space<vmem>>, %arg12: memref<1x600xf32, #tpu.memory_space<vmem>>, %arg13: memref<600x300xf32, #tpu.memory_space<vmem>>, %arg14: memref<1x300xf32, #tpu.memory_space<vmem>>, %arg15: memref<300x1xf32, #tpu.memory_space<vmem>>, %arg16: memref<1x1xf32, #tpu.memory_space<vmem>>, %arg17: memref<8x600xf32, #tpu.memory_space<vmem>>) attributes {dimension_semantics = [#tpu.dimension_semantics<arbitrary>], iteration_bounds = array<i64: 1>, scalar_prefetch = 0 : i64, scratch_operands = 0 : i64, tpu.core_type = #tpu.core_type<tc>, window_params = [{pipeline_mode = #tpu.pipeline_mode<synchronous>, transform_indices = @transform_0, window_bounds = array<i64: 256, 300>}, {pipeline_mode = #tpu.pipeline_mode<synchronous>, transform_indices = @transform_1, window_bounds = array<i64: 4096, 384>}, {transform_indices = @transform_2, window_bounds = array<i64: 256, 384>}, {transform_indices = @transform_3, window_bounds = array<i64: 256, 384>}, {transform_indices = @transform_4, window_bounds = array<i64: 256, 384>}, {transform_indices = @transform_5, window_bounds = array<i64: 256, 384>}, {pipeline_mode = #tpu.pipeline_mode<synchronous>, transform_indices = @transform_6, window_bounds = array<i64: 4096, 384>}, {pipeline_mode = #tpu.pipeline_mode<synchronous>, transform_indices = @transform_7, window_bounds = array<i64: 2, 4096>}, {pipeline_mode = #tpu.pipeline_mode<synchronous>, transform_indices = @transform_8, window_bounds = array<i64: 10, 300, 300>}, {pipeline_mode = #tpu.pipeline_mode<synchronous>, transform_indices = @transform_9, window_bounds = array<i64: 10, 300>}, {pipeline_mode = #tpu.pipeline_mode<synchronous>, transform_indices = @transform_10, window_bounds = array<i64: 600, 600>}, {pipeline_mode = #tpu.pipeline_mode<synchronous>, transform_indices = @transform_11, window_bounds = array<i64: 1, 600>}, {pipeline_mode = #tpu.pipeline_mode<synchronous>, transform_indices = @transform_12, window_bounds = array<i64: 600, 300>}, {pipeline_mode = #tpu.pipeline_mode<synchronous>, transform_indices = @transform_13, window_bounds = array<i64: 1, 300>}, {pipeline_mode = #tpu.pipeline_mode<synchronous>, transform_indices = @transform_14, window_bounds = array<i64: 300, 1>}, {pipeline_mode = #tpu.pipeline_mode<synchronous>, transform_indices = @transform_15, window_bounds = array<i64: 1, 1>}, {pipeline_mode = #tpu.pipeline_mode<synchronous>, transform_indices = @transform_16, window_bounds = array<i64: 8, 600>}]} {
    %get3A = arith.constant 0 : index
    %get3A_0 = arith.constant 0 : index
    %get3A_1 = vector.load %arg1[%get3A, %get3A_0] : memref<256x300xf32, #tpu.memory_space<vmem>>, vector<256x300xf32>
    %get3A_2 = arith.constant 0 : index
    %get3A_3 = arith.constant 0 : index
    %get3A_4 = vector.load %arg7[%get3A_2, %get3A_3] : memref<4096x384xbf16, #tpu.memory_space<vmem>>, vector<4096x384xbf16>
    %get3A_5 = arith.constant 0 : index
    %get3A_6 = arith.constant 0 : index
    %get3A_7 = vector.load %arg2[%get3A_5, %get3A_6] : memref<4096x384xf32, #tpu.memory_space<vmem>>, vector<4096x384xf32>
    %get3A_8 = arith.constant 0 : index
    %get3A_9 = arith.constant 0 : index
    %get3A_10 = vector.load %arg8[%get3A_8, %get3A_9] : memref<2x4096xi32, #tpu.memory_space<vmem>>, vector<1x4096xi32>
    %get3A_11 = arith.constant 1 : index
    %get3A_12 = arith.constant 0 : index
    %get3A_13 = vector.load %arg8[%get3A_11, %get3A_12] : memref<2x4096xi32, #tpu.memory_space<vmem>>, vector<1x4096xi32>
    %iota3A = tpu.iota {dimensions = array<i32: 0>} : vector<256x4096xi32>
    %eq3A = vector.broadcast %get3A_10 : vector<1x4096xi32> to vector<256x4096xi32>
    %eq3A_14 = arith.cmpi eq, %iota3A, %eq3A : vector<256x4096xi32>
    %convert_element_type3A = arith.extui %eq3A_14 : vector<256x4096xi1> to vector<256x4096xi32>
    %convert_element_type3A_15 = arith.sitofp %convert_element_type3A : vector<256x4096xi32> to vector<256x4096xf32>
    %convert_element_type3A_16 = arith.truncf %convert_element_type3A_15 : vector<256x4096xf32> to vector<256x4096xbf16>
    %eq3A_17 = vector.broadcast %get3A_13 : vector<1x4096xi32> to vector<256x4096xi32>
    %eq3A_18 = arith.cmpi eq, %iota3A, %eq3A_17 : vector<256x4096xi32>
    %get3A_19 = arith.constant 0 : index
    %get3A_20 = arith.constant 0 : index
    %get3A_21 = vector.load %arg3[%get3A_19, %get3A_20] : memref<256x384xf32, #tpu.memory_space<vmem>>, vector<256x384xf32>
    %get3A_22 = arith.constant 0 : index
    %get3A_23 = arith.constant 0 : index
    %get3A_24 = vector.load %arg4[%get3A_22, %get3A_23] : memref<256x384xf32, #tpu.memory_space<vmem>>, vector<256x384xf32>
    %convert_element_type3A_25 = arith.truncf %get3A_21 : vector<256x384xf32> to vector<256x384xbf16>
    %convert_element_type3A_26 = arith.truncf %get3A_24 : vector<256x384xf32> to vector<256x384xbf16>
    %dot_general3A = arith.constant dense<0.000000e+00> : vector<256x256xf32>
    %dot_general3A_27 = tpu.matmul %convert_element_type3A_25, %convert_element_type3A_26, %dot_general3A {dimension_numbers = #tpu.dot_dimension_numbers<[1], [1], [0], [0], [0, 0, 1, 0], [], []>, transpose_lhs_hint = false} : vector<256x384xbf16>, vector<256x384xbf16>, vector<256x256xf32> -> vector<256x256xf32>
    %convert_element_type3A_28 = arith.truncf %dot_general3A_27 : vector<256x256xf32> to vector<256x256xbf16>
    %dot_general3A_29 = arith.constant dense<0.000000e+00> : vector<256x4096xf32>
    %dot_general3A_30 = tpu.matmul %convert_element_type3A_28, %convert_element_type3A_16, %dot_general3A_29 {dimension_numbers = #tpu.dot_dimension_numbers<[1], [0], [0], [1], [0, 0, 1, 1], [], []>, transpose_lhs_hint = false} : vector<256x256xbf16>, vector<256x4096xbf16>, vector<256x4096xf32> -> vector<256x4096xf32>
    %jit3A = arith.constant 0.000000e+00 : f32
    %broadcast_in_dim3A = vector.broadcast %jit3A : f32 to vector<256x4096xf32>
    %select_n3A = arith.select %eq3A_18, %dot_general3A_30, %broadcast_in_dim3A : vector<256x4096xi1>, vector<256x4096xf32>
    %reduce_sum3A = arith.constant dense<0.000000e+00> : vector<4096xf32>
    %reduce_sum3A_31 = vector.multi_reduction <add>, %select_n3A, %reduce_sum3A [0] : vector<256x4096xf32> to vector<4096xf32>
    %broadcast_in_dim3A_32 = vector.shape_cast %reduce_sum3A_31 : vector<4096xf32> to vector<1x4096xf32>
    %broadcast_in_dim3A_33 = arith.constant 1.000000e+00 : f32
    %broadcast_in_dim3A_34 = vector.broadcast %broadcast_in_dim3A_33 : f32 to vector<1x384xf32>
    %convert_element_type3A_35 = arith.extf %get3A_4 : vector<4096x384xbf16> to vector<4096x384xf32>
    %mul3A = arith.mulf %get3A_7, %convert_element_type3A_35 : vector<4096x384xf32>
    %convert_element_type3A_36 = arith.truncf %broadcast_in_dim3A_34 : vector<1x384xf32> to vector<1x384xbf16>
    %convert_element_type3A_37 = arith.truncf %mul3A : vector<4096x384xf32> to vector<4096x384xbf16>
    %dot_general3A_38 = arith.constant dense<0.000000e+00> : vector<1x4096xf32>
    %dot_general3A_39 = tpu.matmul %convert_element_type3A_36, %convert_element_type3A_37, %dot_general3A_38 {dimension_numbers = #tpu.dot_dimension_numbers<[1], [1], [0], [0], [0, 0, 1, 0], [], []>, transpose_lhs_hint = false} : vector<1x384xbf16>, vector<4096x384xbf16>, vector<1x4096xf32> -> vector<1x4096xf32>
    %add3A = arith.addf %broadcast_in_dim3A_32, %dot_general3A_39 : vector<1x4096xf32>
    %mul3A_40 = arith.constant 0.0577350259 : f32
    %mul3A_41 = vector.broadcast %mul3A_40 : f32 to vector<1x4096xf32>
    %mul3A_42 = arith.mulf %add3A, %mul3A_41 : vector<1x4096xf32>
    %jit3A_43 = arith.constant 0xFF800000 : f32
    %broadcast_in_dim3A_44 = vector.shape_cast %mul3A_42 : vector<1x4096xf32> to vector<1x4096xf32>
    %broadcast_in_dim3A_45 = vector.broadcast %broadcast_in_dim3A_44 : vector<1x4096xf32> to vector<256x4096xf32>
    %broadcast_in_dim3A_46 = vector.broadcast %jit3A_43 : f32 to vector<256x4096xf32>
    %select_n3A_47 = arith.select %eq3A_18, %broadcast_in_dim3A_45, %broadcast_in_dim3A_46 : vector<256x4096xi1>, vector<256x4096xf32>
    %reduce_max3A = arith.constant dense<0xFF800000> : vector<256xf32>
    %reduce_max3A_48 = vector.multi_reduction <maximumf>, %select_n3A_47, %reduce_max3A [1] : vector<256x4096xf32> to vector<256xf32>
    %broadcast_in_dim3A_49 = vector.shape_cast %reduce_max3A_48 : vector<256xf32> to vector<256x1xf32>
    %eq3A_50 = arith.constant 0xFF800000 : f32
    %eq3A_51 = vector.broadcast %eq3A_50 : f32 to vector<256x1xf32>
    %eq3A_52 = arith.cmpf oeq, %broadcast_in_dim3A_49, %eq3A_51 : vector<256x1xf32>
    %jit3A_53 = arith.constant 0.000000e+00 : f32
    %broadcast_in_dim3A_54 = vector.broadcast %jit3A_53 : f32 to vector<256x1xf32>
    %select_n3A_55 = arith.select %eq3A_52, %broadcast_in_dim3A_54, %broadcast_in_dim3A_49 : vector<256x1xi1>, vector<256x1xf32>
    %sub3A = vector.broadcast %select_n3A_55 : vector<256x1xf32> to vector<256x4096xf32>
    %sub3A_56 = arith.subf %select_n3A_47, %sub3A : vector<256x4096xf32>
    %exp3A = math.exp %sub3A_56 : vector<256x4096xf32>
    %reduce_sum3A_57 = arith.constant dense<0.000000e+00> : vector<256xf32>
    %reduce_sum3A_58 = vector.multi_reduction <add>, %exp3A, %reduce_sum3A_57 [1] : vector<256x4096xf32> to vector<256xf32>
    %broadcast_in_dim3A_59 = vector.shape_cast %reduce_sum3A_58 : vector<256xf32> to vector<256x1xf32>
    %add3A_60 = arith.constant 1.000000e-16 : f32
    %add3A_61 = vector.broadcast %add3A_60 : f32 to vector<256x1xf32>
    %add3A_62 = arith.addf %broadcast_in_dim3A_59, %add3A_61 : vector<256x1xf32>
    %div3A = vector.broadcast %add3A_62 : vector<256x1xf32> to vector<256x4096xf32>
    %div3A_63 = arith.divf %exp3A, %div3A : vector<256x4096xf32>
    %convert_element_type3A_64 = arith.truncf %div3A_63 : vector<256x4096xf32> to vector<256x4096xbf16>
    %dot_general3A_65 = arith.constant dense<0.000000e+00> : vector<256x256xf32>
    %dot_general3A_66 = tpu.matmul %convert_element_type3A_64, %convert_element_type3A_16, %dot_general3A_65 {dimension_numbers = #tpu.dot_dimension_numbers<[1], [1], [0], [0], [0, 0, 1, 0], [], []>, transpose_lhs_hint = false} : vector<256x4096xbf16>, vector<256x4096xbf16>, vector<256x256xf32> -> vector<256x256xf32>
    %get3A_67 = arith.constant 0 : index
    %get3A_68 = arith.constant 0 : index
    %get3A_69 = vector.load %arg5[%get3A_67, %get3A_68] : memref<256x384xf32, #tpu.memory_space<vmem>>, vector<256x384xf32>
    %convert_element_type3A_70 = arith.truncf %dot_general3A_66 : vector<256x256xf32> to vector<256x256xbf16>
    %convert_element_type3A_71 = arith.truncf %get3A_69 : vector<256x384xf32> to vector<256x384xbf16>
    %dot_general3A_72 = arith.constant dense<0.000000e+00> : vector<256x384xf32>
    %dot_general3A_73 = tpu.matmul %convert_element_type3A_70, %convert_element_type3A_71, %dot_general3A_72 {dimension_numbers = #tpu.dot_dimension_numbers<[1], [0], [0], [1], [0, 0, 1, 1], [], []>, transpose_lhs_hint = false} : vector<256x256xbf16>, vector<256x384xbf16>, vector<256x384xf32> -> vector<256x384xf32>
    %convert_element_type3A_74 = arith.truncf %div3A_63 : vector<256x4096xf32> to vector<256x4096xbf16>
    %dot_general3A_75 = arith.constant dense<0.000000e+00> : vector<256x384xf32>
    %dot_general3A_76 = tpu.matmul %convert_element_type3A_74, %get3A_4, %dot_general3A_75 {dimension_numbers = #tpu.dot_dimension_numbers<[1], [0], [0], [1], [0, 0, 1, 1], [], []>, transpose_lhs_hint = false} : vector<256x4096xbf16>, vector<4096x384xbf16>, vector<256x384xf32> -> vector<256x384xf32>
    %add3A_77 = arith.addf %dot_general3A_73, %dot_general3A_76 : vector<256x384xf32>
    %get3A_78 = arith.constant 0 : index
    %get3A_79 = arith.constant 0 : index
    %get3A_80 = vector.load %arg6[%get3A_78, %get3A_79] : memref<256x384xf32, #tpu.memory_space<vmem>>, vector<256x384xf32>
    %add3A_81 = arith.addf %add3A_77, %get3A_80 : vector<256x384xf32>
    %ge3A = arith.constant 0.000000e+00 : f32
    %ge3A_82 = vector.broadcast %ge3A : f32 to vector<256x384xf32>
    %ge3A_83 = arith.cmpf oge, %add3A_81, %ge3A_82 : vector<256x384xf32>
    %mul3A_84 = arith.constant 0.00999999977 : f32
    %mul3A_85 = vector.broadcast %mul3A_84 : f32 to vector<256x384xf32>
    %mul3A_86 = arith.mulf %mul3A_85, %add3A_81 : vector<256x384xf32>
    %select_n3A_87 = arith.select %ge3A_83, %add3A_81, %mul3A_86 : vector<256x384xi1>, vector<256x384xf32>
    %slice3A = vector.extract_strided_slice %select_n3A_87 {offsets = [0, 0], sizes = [256, 300], strides = [1, 1]} : vector<256x384xf32> to vector<256x300xf32>
    %get3A_88 = arith.constant 4 : index
    %get3A_89 = arith.constant 0 : index
    %get3A_90 = arith.constant 0 : index
    %get3A_91 = vector.load %arg9[%get3A_88, %get3A_89, %get3A_90] : memref<10x300x300xbf16, #tpu.memory_space<vmem>>, vector<1x300x300xbf16>
    %get3A_92 = vector.shape_cast %get3A_91 : vector<1x300x300xbf16> to vector<300x300xbf16>
    %convert_element_type3A_93 = arith.extf %get3A_92 : vector<300x300xbf16> to vector<300x300xf32>
    %reduce_sum3A_94 = arith.constant dense<0.000000e+00> : vector<300xf32>
    %reduce_sum3A_95 = vector.multi_reduction <add>, %convert_element_type3A_93, %reduce_sum3A_94 [0] : vector<300x300xf32> to vector<300xf32>
    %broadcast_in_dim3A_96 = vector.shape_cast %reduce_sum3A_95 : vector<300xf32> to vector<1x300xf32>
    %get3A_97 = arith.constant 4 : index
    %get3A_98 = arith.constant 0 : index
    %get3A_99 = vector.load %arg10[%get3A_97, %get3A_98] : memref<10x300xf32, #tpu.memory_space<vmem>>, vector<1x300xf32>
    %add3A_100 = arith.addf %broadcast_in_dim3A_96, %get3A_99 : vector<1x300xf32>
    %get3A_101 = arith.constant 0 : index
    %get3A_102 = arith.constant 0 : index
    %get3A_103 = arith.constant 0 : index
    %get3A_104 = vector.load %arg9[%get3A_101, %get3A_102, %get3A_103] : memref<10x300x300xbf16, #tpu.memory_space<vmem>>, vector<1x300x300xbf16>
    %get3A_105 = vector.shape_cast %get3A_104 : vector<1x300x300xbf16> to vector<300x300xbf16>
    %convert_element_type3A_106 = arith.truncf %get3A_1 : vector<256x300xf32> to vector<256x300xbf16>
    %dot_general3A_107 = arith.constant dense<0.000000e+00> : vector<256x300xf32>
    %dot_general3A_108 = tpu.matmul %convert_element_type3A_106, %get3A_105, %dot_general3A_107 {dimension_numbers = #tpu.dot_dimension_numbers<[1], [0], [0], [1], [0, 0, 1, 1], [], []>, transpose_lhs_hint = false} : vector<256x300xbf16>, vector<300x300xbf16>, vector<256x300xf32> -> vector<256x300xf32>
    %get3A_109 = arith.constant 0 : index
    %get3A_110 = arith.constant 0 : index
    %get3A_111 = vector.load %arg10[%get3A_109, %get3A_110] : memref<10x300xf32, #tpu.memory_space<vmem>>, vector<1x300xf32>
    %add3A_112 = vector.broadcast %get3A_111 : vector<1x300xf32> to vector<256x300xf32>
    %add3A_113 = arith.addf %dot_general3A_108, %add3A_112 : vector<256x300xf32>
    %get3A_114 = arith.constant 1 : index
    %get3A_115 = arith.constant 0 : index
    %get3A_116 = arith.constant 0 : index
    %get3A_117 = vector.load %arg9[%get3A_114, %get3A_115, %get3A_116] : memref<10x300x300xbf16, #tpu.memory_space<vmem>>, vector<1x300x300xbf16>
    %get3A_118 = vector.shape_cast %get3A_117 : vector<1x300x300xbf16> to vector<300x300xbf16>
    %convert_element_type3A_119 = arith.truncf %slice3A : vector<256x300xf32> to vector<256x300xbf16>
    %dot_general3A_120 = arith.constant dense<0.000000e+00> : vector<256x300xf32>
    %dot_general3A_121 = tpu.matmul %convert_element_type3A_119, %get3A_118, %dot_general3A_120 {dimension_numbers = #tpu.dot_dimension_numbers<[1], [0], [0], [1], [0, 0, 1, 1], [], []>, transpose_lhs_hint = false} : vector<256x300xbf16>, vector<300x300xbf16>, vector<256x300xf32> -> vector<256x300xf32>
    %get3A_122 = arith.constant 1 : index
    %get3A_123 = arith.constant 0 : index
    %get3A_124 = vector.load %arg10[%get3A_122, %get3A_123] : memref<10x300xf32, #tpu.memory_space<vmem>>, vector<1x300xf32>
    %add3A_125 = vector.broadcast %get3A_124 : vector<1x300xf32> to vector<256x300xf32>
    %add3A_126 = arith.addf %dot_general3A_121, %add3A_125 : vector<256x300xf32>
    %add3A_127 = vector.broadcast %add3A_100 : vector<1x300xf32> to vector<256x300xf32>
    %add3A_128 = arith.addf %add3A_126, %add3A_127 : vector<256x300xf32>
    %get3A_129 = arith.constant 2 : index
    %get3A_130 = arith.constant 0 : index
    %get3A_131 = arith.constant 0 : index
    %get3A_132 = vector.load %arg9[%get3A_129, %get3A_130, %get3A_131] : memref<10x300x300xbf16, #tpu.memory_space<vmem>>, vector<1x300x300xbf16>
    %get3A_133 = vector.shape_cast %get3A_132 : vector<1x300x300xbf16> to vector<300x300xbf16>
    %convert_element_type3A_134 = arith.truncf %slice3A : vector<256x300xf32> to vector<256x300xbf16>
    %dot_general3A_135 = arith.constant dense<0.000000e+00> : vector<256x300xf32>
    %dot_general3A_136 = tpu.matmul %convert_element_type3A_134, %get3A_133, %dot_general3A_135 {dimension_numbers = #tpu.dot_dimension_numbers<[1], [0], [0], [1], [0, 0, 1, 1], [], []>, transpose_lhs_hint = false} : vector<256x300xbf16>, vector<300x300xbf16>, vector<256x300xf32> -> vector<256x300xf32>
    %get3A_137 = arith.constant 2 : index
    %get3A_138 = arith.constant 0 : index
    %get3A_139 = vector.load %arg10[%get3A_137, %get3A_138] : memref<10x300xf32, #tpu.memory_space<vmem>>, vector<1x300xf32>
    %add3A_140 = vector.broadcast %get3A_139 : vector<1x300xf32> to vector<256x300xf32>
    %add3A_141 = arith.addf %dot_general3A_136, %add3A_140 : vector<256x300xf32>
    %add3A_142 = vector.broadcast %add3A_100 : vector<1x300xf32> to vector<256x300xf32>
    %add3A_143 = arith.addf %add3A_141, %add3A_142 : vector<256x300xf32>
    %get3A_144 = arith.constant 3 : index
    %get3A_145 = arith.constant 0 : index
    %get3A_146 = arith.constant 0 : index
    %get3A_147 = vector.load %arg9[%get3A_144, %get3A_145, %get3A_146] : memref<10x300x300xbf16, #tpu.memory_space<vmem>>, vector<1x300x300xbf16>
    %get3A_148 = vector.shape_cast %get3A_147 : vector<1x300x300xbf16> to vector<300x300xbf16>
    %convert_element_type3A_149 = arith.truncf %get3A_1 : vector<256x300xf32> to vector<256x300xbf16>
    %dot_general3A_150 = arith.constant dense<0.000000e+00> : vector<256x300xf32>
    %dot_general3A_151 = tpu.matmul %convert_element_type3A_149, %get3A_148, %dot_general3A_150 {dimension_numbers = #tpu.dot_dimension_numbers<[1], [0], [0], [1], [0, 0, 1, 1], [], []>, transpose_lhs_hint = false} : vector<256x300xbf16>, vector<300x300xbf16>, vector<256x300xf32> -> vector<256x300xf32>
    %get3A_152 = arith.constant 3 : index
    %get3A_153 = arith.constant 0 : index
    %get3A_154 = vector.load %arg10[%get3A_152, %get3A_153] : memref<10x300xf32, #tpu.memory_space<vmem>>, vector<1x300xf32>
    %add3A_155 = vector.broadcast %get3A_154 : vector<1x300xf32> to vector<256x300xf32>
    %add3A_156 = arith.addf %dot_general3A_151, %add3A_155 : vector<256x300xf32>
    %convert_element_type3A_157 = arith.truncf %add3A_113 : vector<256x300xf32> to vector<256x300xbf16>
    %convert_element_type3A_158 = arith.truncf %add3A_128 : vector<256x300xf32> to vector<256x300xbf16>
    %dot_general3A_159 = arith.constant dense<0.000000e+00> : vector<256x256xf32>
    %dot_general3A_160 = tpu.matmul %convert_element_type3A_157, %convert_element_type3A_158, %dot_general3A_159 {dimension_numbers = #tpu.dot_dimension_numbers<[1], [1], [0], [0], [0, 0, 1, 0], [], []>, transpose_lhs_hint = false} : vector<256x300xbf16>, vector<256x300xbf16>, vector<256x256xf32> -> vector<256x256xf32>
    %mul3A_161 = arith.constant 0.0577350259 : f32
    %mul3A_162 = vector.broadcast %mul3A_161 : f32 to vector<256x256xf32>
    %mul3A_163 = arith.mulf %dot_general3A_160, %mul3A_162 : vector<256x256xf32>
    %reduce_max3A_164 = arith.constant dense<0xFF800000> : vector<256xf32>
    %reduce_max3A_165 = vector.multi_reduction <maximumf>, %mul3A_163, %reduce_max3A_164 [1] : vector<256x256xf32> to vector<256xf32>
    %broadcast_in_dim3A_166 = vector.shape_cast %reduce_max3A_165 : vector<256xf32> to vector<256x1xf32>
    %sub3A_167 = vector.broadcast %broadcast_in_dim3A_166 : vector<256x1xf32> to vector<256x256xf32>
    %sub3A_168 = arith.subf %mul3A_163, %sub3A_167 : vector<256x256xf32>
    %exp3A_169 = math.exp %sub3A_168 : vector<256x256xf32>
    %reduce_sum3A_170 = arith.constant dense<0.000000e+00> : vector<256xf32>
    %reduce_sum3A_171 = vector.multi_reduction <add>, %exp3A_169, %reduce_sum3A_170 [1] : vector<256x256xf32> to vector<256xf32>
    %broadcast_in_dim3A_172 = vector.shape_cast %reduce_sum3A_171 : vector<256xf32> to vector<256x1xf32>
    %add3A_173 = arith.constant 1.000000e-16 : f32
    %add3A_174 = vector.broadcast %add3A_173 : f32 to vector<256x1xf32>
    %add3A_175 = arith.addf %broadcast_in_dim3A_172, %add3A_174 : vector<256x1xf32>
    %div3A_176 = vector.broadcast %add3A_175 : vector<256x1xf32> to vector<256x256xf32>
    %div3A_177 = arith.divf %exp3A_169, %div3A_176 : vector<256x256xf32>
    %convert_element_type3A_178 = arith.truncf %div3A_177 : vector<256x256xf32> to vector<256x256xbf16>
    %convert_element_type3A_179 = arith.truncf %add3A_143 : vector<256x300xf32> to vector<256x300xbf16>
    %dot_general3A_180 = arith.constant dense<0.000000e+00> : vector<256x300xf32>
    %dot_general3A_181 = tpu.matmul %convert_element_type3A_178, %convert_element_type3A_179, %dot_general3A_180 {dimension_numbers = #tpu.dot_dimension_numbers<[1], [0], [0], [1], [0, 0, 1, 1], [], []>, transpose_lhs_hint = false} : vector<256x256xbf16>, vector<256x300xbf16>, vector<256x300xf32> -> vector<256x300xf32>
    %add3A_182 = arith.addf %dot_general3A_181, %add3A_156 : vector<256x300xf32>
    %ge3A_183 = arith.constant 0.000000e+00 : f32
    %ge3A_184 = vector.broadcast %ge3A_183 : f32 to vector<256x300xf32>
    %ge3A_185 = arith.cmpf oge, %add3A_182, %ge3A_184 : vector<256x300xf32>
    %mul3A_186 = arith.constant 0.00999999977 : f32
    %mul3A_187 = vector.broadcast %mul3A_186 : f32 to vector<256x300xf32>
    %mul3A_188 = arith.mulf %mul3A_187, %add3A_182 : vector<256x300xf32>
    %select_n3A_189 = arith.select %ge3A_185, %add3A_182, %mul3A_188 : vector<256x300xi1>, vector<256x300xf32>
    %get3A_190 = arith.constant 9 : index
    %get3A_191 = arith.constant 0 : index
    %get3A_192 = arith.constant 0 : index
    %get3A_193 = vector.load %arg9[%get3A_190, %get3A_191, %get3A_192] : memref<10x300x300xbf16, #tpu.memory_space<vmem>>, vector<1x300x300xbf16>
    %get3A_194 = vector.shape_cast %get3A_193 : vector<1x300x300xbf16> to vector<300x300xbf16>
    %convert_element_type3A_195 = arith.extf %get3A_194 : vector<300x300xbf16> to vector<300x300xf32>
    %reduce_sum3A_196 = arith.constant dense<0.000000e+00> : vector<300xf32>
    %reduce_sum3A_197 = vector.multi_reduction <add>, %convert_element_type3A_195, %reduce_sum3A_196 [0] : vector<300x300xf32> to vector<300xf32>
    %broadcast_in_dim3A_198 = vector.shape_cast %reduce_sum3A_197 : vector<300xf32> to vector<1x300xf32>
    %get3A_199 = arith.constant 9 : index
    %get3A_200 = arith.constant 0 : index
    %get3A_201 = vector.load %arg10[%get3A_199, %get3A_200] : memref<10x300xf32, #tpu.memory_space<vmem>>, vector<1x300xf32>
    %add3A_202 = arith.addf %broadcast_in_dim3A_198, %get3A_201 : vector<1x300xf32>
    %get3A_203 = arith.constant 5 : index
    %get3A_204 = arith.constant 0 : index
    %get3A_205 = arith.constant 0 : index
    %get3A_206 = vector.load %arg9[%get3A_203, %get3A_204, %get3A_205] : memref<10x300x300xbf16, #tpu.memory_space<vmem>>, vector<1x300x300xbf16>
    %get3A_207 = vector.shape_cast %get3A_206 : vector<1x300x300xbf16> to vector<300x300xbf16>
    %convert_element_type3A_208 = arith.truncf %slice3A : vector<256x300xf32> to vector<256x300xbf16>
    %dot_general3A_209 = arith.constant dense<0.000000e+00> : vector<256x300xf32>
    %dot_general3A_210 = tpu.matmul %convert_element_type3A_208, %get3A_207, %dot_general3A_209 {dimension_numbers = #tpu.dot_dimension_numbers<[1], [0], [0], [1], [0, 0, 1, 1], [], []>, transpose_lhs_hint = false} : vector<256x300xbf16>, vector<300x300xbf16>, vector<256x300xf32> -> vector<256x300xf32>
    %get3A_211 = arith.constant 5 : index
    %get3A_212 = arith.constant 0 : index
    %get3A_213 = vector.load %arg10[%get3A_211, %get3A_212] : memref<10x300xf32, #tpu.memory_space<vmem>>, vector<1x300xf32>
    %add3A_214 = vector.broadcast %get3A_213 : vector<1x300xf32> to vector<256x300xf32>
    %add3A_215 = arith.addf %dot_general3A_210, %add3A_214 : vector<256x300xf32>
    %get3A_216 = arith.constant 6 : index
    %get3A_217 = arith.constant 0 : index
    %get3A_218 = arith.constant 0 : index
    %get3A_219 = vector.load %arg9[%get3A_216, %get3A_217, %get3A_218] : memref<10x300x300xbf16, #tpu.memory_space<vmem>>, vector<1x300x300xbf16>
    %get3A_220 = vector.shape_cast %get3A_219 : vector<1x300x300xbf16> to vector<300x300xbf16>
    %convert_element_type3A_221 = arith.truncf %get3A_1 : vector<256x300xf32> to vector<256x300xbf16>
    %dot_general3A_222 = arith.constant dense<0.000000e+00> : vector<256x300xf32>
    %dot_general3A_223 = tpu.matmul %convert_element_type3A_221, %get3A_220, %dot_general3A_222 {dimension_numbers = #tpu.dot_dimension_numbers<[1], [0], [0], [1], [0, 0, 1, 1], [], []>, transpose_lhs_hint = false} : vector<256x300xbf16>, vector<300x300xbf16>, vector<256x300xf32> -> vector<256x300xf32>
    %get3A_224 = arith.constant 6 : index
    %get3A_225 = arith.constant 0 : index
    %get3A_226 = vector.load %arg10[%get3A_224, %get3A_225] : memref<10x300xf32, #tpu.memory_space<vmem>>, vector<1x300xf32>
    %add3A_227 = vector.broadcast %get3A_226 : vector<1x300xf32> to vector<256x300xf32>
    %add3A_228 = arith.addf %dot_general3A_223, %add3A_227 : vector<256x300xf32>
    %add3A_229 = vector.broadcast %add3A_202 : vector<1x300xf32> to vector<256x300xf32>
    %add3A_230 = arith.addf %add3A_228, %add3A_229 : vector<256x300xf32>
    %get3A_231 = arith.constant 7 : index
    %get3A_232 = arith.constant 0 : index
    %get3A_233 = arith.constant 0 : index
    %get3A_234 = vector.load %arg9[%get3A_231, %get3A_232, %get3A_233] : memref<10x300x300xbf16, #tpu.memory_space<vmem>>, vector<1x300x300xbf16>
    %get3A_235 = vector.shape_cast %get3A_234 : vector<1x300x300xbf16> to vector<300x300xbf16>
    %convert_element_type3A_236 = arith.truncf %get3A_1 : vector<256x300xf32> to vector<256x300xbf16>
    %dot_general3A_237 = arith.constant dense<0.000000e+00> : vector<256x300xf32>
    %dot_general3A_238 = tpu.matmul %convert_element_type3A_236, %get3A_235, %dot_general3A_237 {dimension_numbers = #tpu.dot_dimension_numbers<[1], [0], [0], [1], [0, 0, 1, 1], [], []>, transpose_lhs_hint = false} : vector<256x300xbf16>, vector<300x300xbf16>, vector<256x300xf32> -> vector<256x300xf32>
    %get3A_239 = arith.constant 7 : index
    %get3A_240 = arith.constant 0 : index
    %get3A_241 = vector.load %arg10[%get3A_239, %get3A_240] : memref<10x300xf32, #tpu.memory_space<vmem>>, vector<1x300xf32>
    %add3A_242 = vector.broadcast %get3A_241 : vector<1x300xf32> to vector<256x300xf32>
    %add3A_243 = arith.addf %dot_general3A_238, %add3A_242 : vector<256x300xf32>
    %add3A_244 = vector.broadcast %add3A_202 : vector<1x300xf32> to vector<256x300xf32>
    %add3A_245 = arith.addf %add3A_243, %add3A_244 : vector<256x300xf32>
    %get3A_246 = arith.constant 8 : index
    %get3A_247 = arith.constant 0 : index
    %get3A_248 = arith.constant 0 : index
    %get3A_249 = vector.load %arg9[%get3A_246, %get3A_247, %get3A_248] : memref<10x300x300xbf16, #tpu.memory_space<vmem>>, vector<1x300x300xbf16>
    %get3A_250 = vector.shape_cast %get3A_249 : vector<1x300x300xbf16> to vector<300x300xbf16>
    %convert_element_type3A_251 = arith.truncf %slice3A : vector<256x300xf32> to vector<256x300xbf16>
    %dot_general3A_252 = arith.constant dense<0.000000e+00> : vector<256x300xf32>
    %dot_general3A_253 = tpu.matmul %convert_element_type3A_251, %get3A_250, %dot_general3A_252 {dimension_numbers = #tpu.dot_dimension_numbers<[1], [0], [0], [1], [0, 0, 1, 1], [], []>, transpose_lhs_hint = false} : vector<256x300xbf16>, vector<300x300xbf16>, vector<256x300xf32> -> vector<256x300xf32>
    %get3A_254 = arith.constant 8 : index
    %get3A_255 = arith.constant 0 : index
    %get3A_256 = vector.load %arg10[%get3A_254, %get3A_255] : memref<10x300xf32, #tpu.memory_space<vmem>>, vector<1x300xf32>
    %add3A_257 = vector.broadcast %get3A_256 : vector<1x300xf32> to vector<256x300xf32>
    %add3A_258 = arith.addf %dot_general3A_253, %add3A_257 : vector<256x300xf32>
    %convert_element_type3A_259 = arith.truncf %add3A_215 : vector<256x300xf32> to vector<256x300xbf16>
    %convert_element_type3A_260 = arith.truncf %add3A_230 : vector<256x300xf32> to vector<256x300xbf16>
    %dot_general3A_261 = arith.constant dense<0.000000e+00> : vector<256x256xf32>
    %dot_general3A_262 = tpu.matmul %convert_element_type3A_259, %convert_element_type3A_260, %dot_general3A_261 {dimension_numbers = #tpu.dot_dimension_numbers<[1], [1], [0], [0], [0, 0, 1, 0], [], []>, transpose_lhs_hint = false} : vector<256x300xbf16>, vector<256x300xbf16>, vector<256x256xf32> -> vector<256x256xf32>
    %mul3A_263 = arith.constant 0.0577350259 : f32
    %mul3A_264 = vector.broadcast %mul3A_263 : f32 to vector<256x256xf32>
    %mul3A_265 = arith.mulf %dot_general3A_262, %mul3A_264 : vector<256x256xf32>
    %reduce_max3A_266 = arith.constant dense<0xFF800000> : vector<256xf32>
    %reduce_max3A_267 = vector.multi_reduction <maximumf>, %mul3A_265, %reduce_max3A_266 [1] : vector<256x256xf32> to vector<256xf32>
    %broadcast_in_dim3A_268 = vector.shape_cast %reduce_max3A_267 : vector<256xf32> to vector<256x1xf32>
    %sub3A_269 = vector.broadcast %broadcast_in_dim3A_268 : vector<256x1xf32> to vector<256x256xf32>
    %sub3A_270 = arith.subf %mul3A_265, %sub3A_269 : vector<256x256xf32>
    %exp3A_271 = math.exp %sub3A_270 : vector<256x256xf32>
    %reduce_sum3A_272 = arith.constant dense<0.000000e+00> : vector<256xf32>
    %reduce_sum3A_273 = vector.multi_reduction <add>, %exp3A_271, %reduce_sum3A_272 [1] : vector<256x256xf32> to vector<256xf32>
    %broadcast_in_dim3A_274 = vector.shape_cast %reduce_sum3A_273 : vector<256xf32> to vector<256x1xf32>
    %add3A_275 = arith.constant 1.000000e-16 : f32
    %add3A_276 = vector.broadcast %add3A_275 : f32 to vector<256x1xf32>
    %add3A_277 = arith.addf %broadcast_in_dim3A_274, %add3A_276 : vector<256x1xf32>
    %div3A_278 = vector.broadcast %add3A_277 : vector<256x1xf32> to vector<256x256xf32>
    %div3A_279 = arith.divf %exp3A_271, %div3A_278 : vector<256x256xf32>
    %convert_element_type3A_280 = arith.truncf %div3A_279 : vector<256x256xf32> to vector<256x256xbf16>
    %convert_element_type3A_281 = arith.truncf %add3A_245 : vector<256x300xf32> to vector<256x300xbf16>
    %dot_general3A_282 = arith.constant dense<0.000000e+00> : vector<256x300xf32>
    %dot_general3A_283 = tpu.matmul %convert_element_type3A_280, %convert_element_type3A_281, %dot_general3A_282 {dimension_numbers = #tpu.dot_dimension_numbers<[1], [0], [0], [1], [0, 0, 1, 1], [], []>, transpose_lhs_hint = false} : vector<256x256xbf16>, vector<256x300xbf16>, vector<256x300xf32> -> vector<256x300xf32>
    %add3A_284 = arith.addf %dot_general3A_283, %add3A_258 : vector<256x300xf32>
    %ge3A_285 = arith.constant 0.000000e+00 : f32
    %ge3A_286 = vector.broadcast %ge3A_285 : f32 to vector<256x300xf32>
    %ge3A_287 = arith.cmpf oge, %add3A_284, %ge3A_286 : vector<256x300xf32>
    %mul3A_288 = arith.constant 0.00999999977 : f32
    %mul3A_289 = vector.broadcast %mul3A_288 : f32 to vector<256x300xf32>
    %mul3A_290 = arith.mulf %mul3A_289, %add3A_284 : vector<256x300xf32>
    %select_n3A_291 = arith.select %ge3A_287, %add3A_284, %mul3A_290 : vector<256x300xi1>, vector<256x300xf32>
    %reduce_sum3A_292 = arith.constant dense<0.000000e+00> : vector<300xf32>
    %reduce_sum3A_293 = vector.multi_reduction <add>, %select_n3A_189, %reduce_sum3A_292 [0] : vector<256x300xf32> to vector<300xf32>
    %broadcast_in_dim3A_294 = vector.shape_cast %reduce_sum3A_293 : vector<300xf32> to vector<1x300xf32>
    %div3A_295 = arith.constant 2.560000e+02 : f32
    %div3A_296 = vector.broadcast %div3A_295 : f32 to vector<1x300xf32>
    %div3A_297 = arith.divf %broadcast_in_dim3A_294, %div3A_296 : vector<1x300xf32>
    %reduce_sum3A_298 = arith.constant dense<0.000000e+00> : vector<300xf32>
    %reduce_sum3A_299 = vector.multi_reduction <add>, %select_n3A_291, %reduce_sum3A_298 [0] : vector<256x300xf32> to vector<300xf32>
    %broadcast_in_dim3A_300 = vector.shape_cast %reduce_sum3A_299 : vector<300xf32> to vector<1x300xf32>
    %div3A_301 = arith.constant 2.560000e+02 : f32
    %div3A_302 = vector.broadcast %div3A_301 : f32 to vector<1x300xf32>
    %div3A_303 = arith.divf %broadcast_in_dim3A_300, %div3A_302 : vector<1x300xf32>
    %concatenate3A = tpu.concatenate %div3A_297, %div3A_303 in 1 : vector<1x300xf32>, vector<1x300xf32> -> vector<1x600xf32>
    %get3A_304 = arith.constant 0 : index
    %get3A_305 = arith.constant 0 : index
    %get3A_306 = vector.load %arg11[%get3A_304, %get3A_305] : memref<600x600xf32, #tpu.memory_space<vmem>>, vector<600x600xf32>
    %convert_element_type3A_307 = arith.truncf %concatenate3A : vector<1x600xf32> to vector<1x600xbf16>
    %convert_element_type3A_308 = arith.truncf %get3A_306 : vector<600x600xf32> to vector<600x600xbf16>
    %dot_general3A_309 = arith.constant dense<0.000000e+00> : vector<1x600xf32>
    %dot_general3A_310 = tpu.matmul %convert_element_type3A_307, %convert_element_type3A_308, %dot_general3A_309 {dimension_numbers = #tpu.dot_dimension_numbers<[1], [0], [0], [1], [0, 0, 1, 1], [], []>, transpose_lhs_hint = false} : vector<1x600xbf16>, vector<600x600xbf16>, vector<1x600xf32> -> vector<1x600xf32>
    %get3A_311 = arith.constant 0 : index
    %get3A_312 = arith.constant 0 : index
    %get3A_313 = vector.load %arg12[%get3A_311, %get3A_312] : memref<1x600xf32, #tpu.memory_space<vmem>>, vector<1x600xf32>
    %add3A_314 = arith.addf %dot_general3A_310, %get3A_313 : vector<1x600xf32>
    %ge3A_315 = arith.constant 0.000000e+00 : f32
    %ge3A_316 = vector.broadcast %ge3A_315 : f32 to vector<1x600xf32>
    %ge3A_317 = arith.cmpf oge, %add3A_314, %ge3A_316 : vector<1x600xf32>
    %mul3A_318 = arith.constant 0.00999999977 : f32
    %mul3A_319 = vector.broadcast %mul3A_318 : f32 to vector<1x600xf32>
    %mul3A_320 = arith.mulf %mul3A_319, %add3A_314 : vector<1x600xf32>
    %select_n3A_321 = arith.select %ge3A_317, %add3A_314, %mul3A_320 : vector<1x600xi1>, vector<1x600xf32>
    %get3A_322 = arith.constant 0 : index
    %get3A_323 = arith.constant 0 : index
    %get3A_324 = vector.load %arg13[%get3A_322, %get3A_323] : memref<600x300xf32, #tpu.memory_space<vmem>>, vector<600x300xf32>
    %convert_element_type3A_325 = arith.truncf %select_n3A_321 : vector<1x600xf32> to vector<1x600xbf16>
    %convert_element_type3A_326 = arith.truncf %get3A_324 : vector<600x300xf32> to vector<600x300xbf16>
    %dot_general3A_327 = arith.constant dense<0.000000e+00> : vector<1x300xf32>
    %dot_general3A_328 = tpu.matmul %convert_element_type3A_325, %convert_element_type3A_326, %dot_general3A_327 {dimension_numbers = #tpu.dot_dimension_numbers<[1], [0], [0], [1], [0, 0, 1, 1], [], []>, transpose_lhs_hint = false} : vector<1x600xbf16>, vector<600x300xbf16>, vector<1x300xf32> -> vector<1x300xf32>
    %get3A_329 = arith.constant 0 : index
    %get3A_330 = arith.constant 0 : index
    %get3A_331 = vector.load %arg14[%get3A_329, %get3A_330] : memref<1x300xf32, #tpu.memory_space<vmem>>, vector<1x300xf32>
    %add3A_332 = arith.addf %dot_general3A_328, %get3A_331 : vector<1x300xf32>
    %ge3A_333 = arith.constant 0.000000e+00 : f32
    %ge3A_334 = vector.broadcast %ge3A_333 : f32 to vector<1x300xf32>
    %ge3A_335 = arith.cmpf oge, %add3A_332, %ge3A_334 : vector<1x300xf32>
    %mul3A_336 = arith.constant 0.00999999977 : f32
    %mul3A_337 = vector.broadcast %mul3A_336 : f32 to vector<1x300xf32>
    %mul3A_338 = arith.mulf %mul3A_337, %add3A_332 : vector<1x300xf32>
    %select_n3A_339 = arith.select %ge3A_335, %add3A_332, %mul3A_338 : vector<1x300xi1>, vector<1x300xf32>
    %get3A_340 = arith.constant 0 : index
    %get3A_341 = arith.constant 0 : index
    %get3A_342 = vector.load %arg15[%get3A_340, %get3A_341] : memref<300x1xf32, #tpu.memory_space<vmem>>, vector<300x1xf32>
    %convert_element_type3A_343 = arith.truncf %select_n3A_339 : vector<1x300xf32> to vector<1x300xbf16>
    %convert_element_type3A_344 = arith.truncf %get3A_342 : vector<300x1xf32> to vector<300x1xbf16>
    %dot_general3A_345 = arith.constant dense<0.000000e+00> : vector<1x1xf32>
    %dot_general3A_346 = tpu.matmul %convert_element_type3A_343, %convert_element_type3A_344, %dot_general3A_345 {dimension_numbers = #tpu.dot_dimension_numbers<[1], [0], [0], [1], [0, 0, 1, 1], [], []>, transpose_lhs_hint = false} : vector<1x300xbf16>, vector<300x1xbf16>, vector<1x1xf32> -> vector<1x1xf32>
    %get3A_347 = arith.constant 0 : index
    %get3A_348 = arith.constant 0 : index
    %get3A_349 = vector.load %arg16[%get3A_347, %get3A_348] : memref<1x1xf32, #tpu.memory_space<vmem>>, vector<1x1xf32>
    %add3A_350 = arith.addf %dot_general3A_346, %get3A_349 : vector<1x1xf32>
    %neg3A = arith.constant 0.000000e+00 : f32
    %neg3A_351 = vector.broadcast %neg3A : f32 to vector<1x1xf32>
    %neg3A_352 = arith.subf %neg3A_351, %add3A_350 : vector<1x1xf32>
    %exp3A_353 = math.exp %neg3A_352 : vector<1x1xf32>
    %add3A_354 = arith.constant 1.000000e+00 : f32
    %add3A_355 = vector.broadcast %add3A_354 : f32 to vector<1x1xf32>
    %add3A_356 = arith.addf %add3A_355, %exp3A_353 : vector<1x1xf32>
    %div3A_357 = arith.constant 1.000000e+00 : f32
    %div3A_358 = vector.broadcast %div3A_357 : f32 to vector<1x1xf32>
    %div3A_359 = arith.divf %div3A_358, %add3A_356 : vector<1x1xf32>
    %broadcast_in_dim3A_360 = arith.constant 0.000000e+00 : f32
    %broadcast_in_dim3A_361 = vector.broadcast %broadcast_in_dim3A_360 : f32 to vector<8x600xf32>
    %swap3A = arith.constant 0 : index
    %swap3A_362 = arith.constant 0 : index
    %swap3A_363 = vector.load %arg17[%swap3A, %swap3A_362] : memref<8x600xf32, #tpu.memory_space<vmem>>, vector<8x600xf32>
    tpu.vector_store %arg17[%swap3A, %swap3A_362], %broadcast_in_dim3A_361 {strides = array<i32>} : memref<8x600xf32, #tpu.memory_space<vmem>>, vector<8x600xf32>,
    %swap3A_364 = arith.constant 0 : index
    %swap3A_365 = arith.constant 0 : index
    %swap3A_366 = vector.load %arg17[%swap3A_364, %swap3A_365] : memref<8x600xf32, #tpu.memory_space<vmem>>, vector<1x300xf32>
    tpu.vector_store %arg17[%swap3A_364, %swap3A_365], %div3A_297 {strides = array<i32>} : memref<8x600xf32, #tpu.memory_space<vmem>>, vector<1x300xf32>,
    %swap3A_367 = arith.constant 1 : index
    %swap3A_368 = arith.constant 0 : index
    %swap3A_369 = vector.load %arg17[%swap3A_367, %swap3A_368] : memref<8x600xf32, #tpu.memory_space<vmem>>, vector<1x300xf32>
    tpu.vector_store %arg17[%swap3A_367, %swap3A_368], %div3A_303 {strides = array<i32>} : memref<8x600xf32, #tpu.memory_space<vmem>>, vector<1x300xf32>,
    %broadcast_in_dim3A_370 = vector.shape_cast %div3A_359 : vector<1x1xf32> to vector<1x1xf32>
    %broadcast_in_dim3A_371 = vector.broadcast %broadcast_in_dim3A_370 : vector<1x1xf32> to vector<1x128xf32>
    %swap3A_372 = arith.constant 2 : index
    %swap3A_373 = arith.constant 0 : index
    %swap3A_374 = vector.load %arg17[%swap3A_372, %swap3A_373] : memref<8x600xf32, #tpu.memory_space<vmem>>, vector<1x128xf32>
    tpu.vector_store %arg17[%swap3A_372, %swap3A_373], %broadcast_in_dim3A_371 {strides = array<i32>} : memref<8x600xf32, #tpu.memory_space<vmem>>, vector<1x128xf32>,
    return
  }
  func.func @transform_0(%arg0: i32) -> (i32, i32) {
    %c0_i32 = arith.constant 0 : i32
    %c0_i32_0 = arith.constant 0 : i32
    %c0_i32_1 = arith.constant 0 : i32
    return %c0_i32, %c0_i32_0 : i32, i32
  }
  func.func @transform_1(%arg0: i32) -> (i32, i32) {
    %c0_i32 = arith.constant 0 : i32
    %c0_i32_0 = arith.constant 0 : i32
    %c0_i32_1 = arith.constant 0 : i32
    return %c0_i32, %c0_i32_0 : i32, i32
  }
  func.func @transform_2(%arg0: i32) -> (i32, i32) {
    %c1_i32 = arith.constant 1 : i32
    %c0_i32 = arith.constant 0 : i32
    %c0_i32_0 = arith.constant 0 : i32
    return %c1_i32, %c0_i32 : i32, i32
  }
  func.func @transform_3(%arg0: i32) -> (i32, i32) {
    %c3_i32 = arith.constant 3 : i32
    %c0_i32 = arith.constant 0 : i32
    %c0_i32_0 = arith.constant 0 : i32
    return %c3_i32, %c0_i32 : i32, i32
  }
  func.func @transform_4(%arg0: i32) -> (i32, i32) {
    %c4_i32 = arith.constant 4 : i32
    %c0_i32 = arith.constant 0 : i32
    %c0_i32_0 = arith.constant 0 : i32
    return %c4_i32, %c0_i32 : i32, i32
  }
  func.func @transform_5(%arg0: i32) -> (i32, i32) {
    %c5_i32 = arith.constant 5 : i32
    %c0_i32 = arith.constant 0 : i32
    %c0_i32_0 = arith.constant 0 : i32
    return %c5_i32, %c0_i32 : i32, i32
  }
  func.func @transform_6(%arg0: i32) -> (i32, i32) {
    %c0_i32 = arith.constant 0 : i32
    %c0_i32_0 = arith.constant 0 : i32
    %c0_i32_1 = arith.constant 0 : i32
    return %c0_i32, %c0_i32_0 : i32, i32
  }
  func.func @transform_7(%arg0: i32) -> (i32, i32) {
    %c0_i32 = arith.constant 0 : i32
    %c0_i32_0 = arith.constant 0 : i32
    %c0_i32_1 = arith.constant 0 : i32
    return %c0_i32, %c0_i32_0 : i32, i32
  }
  func.func @transform_8(%arg0: i32) -> (i32, i32, i32) {
    %c0_i32 = arith.constant 0 : i32
    %c0_i32_0 = arith.constant 0 : i32
    %c0_i32_1 = arith.constant 0 : i32
    %c0_i32_2 = arith.constant 0 : i32
    return %c0_i32, %c0_i32_0, %c0_i32_1 : i32, i32, i32
  }
  func.func @transform_9(%arg0: i32) -> (i32, i32) {
    %c0_i32 = arith.constant 0 : i32
    %c0_i32_0 = arith.constant 0 : i32
    %c0_i32_1 = arith.constant 0 : i32
    return %c0_i32, %c0_i32_0 : i32, i32
  }
  func.func @transform_10(%arg0: i32) -> (i32, i32) {
    %c0_i32 = arith.constant 0 : i32
    %c0_i32_0 = arith.constant 0 : i32
    %c0_i32_1 = arith.constant 0 : i32
    return %c0_i32, %c0_i32_0 : i32, i32
  }
  func.func @transform_11(%arg0: i32) -> (i32, i32) {
    %c0_i32 = arith.constant 0 : i32
    %c0_i32_0 = arith.constant 0 : i32
    %c0_i32_1 = arith.constant 0 : i32
    return %c0_i32, %c0_i32_0 : i32, i32
  }
  func.func @transform_12(%arg0: i32) -> (i32, i32) {
    %c0_i32 = arith.constant 0 : i32
    %c0_i32_0 = arith.constant 0 : i32
    %c0_i32_1 = arith.constant 0 : i32
    return %c0_i32, %c0_i32_0 : i32, i32
  }
  func.func @transform_13(%arg0: i32) -> (i32, i32) {
    %c0_i32 = arith.constant 0 : i32
    %c0_i32_0 = arith.constant 0 : i32
    %c0_i32_1 = arith.constant 0 : i32
    return %c0_i32, %c0_i32_0 : i32, i32
  }
  func.func @transform_14(%arg0: i32) -> (i32, i32) {
    %c0_i32 = arith.constant 0 : i32
    %c0_i32_0 = arith.constant 0 : i32
    %c0_i32_1 = arith.constant 0 : i32
    return %c0_i32, %c0_i32_0 : i32, i32
  }
  func.func @transform_15(%arg0: i32) -> (i32, i32) {
    %c0_i32 = arith.constant 0 : i32
    %c0_i32_0 = arith.constant 0 : i32
    %c0_i32_1 = arith.constant 0 : i32
    return %c0_i32, %c0_i32_0 : i32, i32
  }
  func.func @transform_16(%arg0: i32) -> (i32, i32) {
    %c0_i32 = arith.constant 0 : i32
    %c0_i32_0 = arith.constant 0 : i32
    %c0_i32_1 = arith.constant 0 : i32
    return %c0_i32, %c0_i32_0 : i32, i32
  }
}

</mosaic_0001>

<sc_bundles>
// kernel: kernel.11.cloned.1.call-start
scs
__scs_entry_jumppad:
0x0: {  	(pc) =	sbr.rel $0x88, $3  }
0x1: {  	(tag) =	ssettag $0x0;
	lr =	simm.s32 $0x1  }
0x2: {  	[smem:$0x3F6D] =	sst lr;
	_ =	strace $0xD0000000  }
0x3: {  	_ = 	snop  }
0x4: {  	_ = 	snop  }
0x5: {  	_ = 	snop  }
0x6: {  	_ = 	snop  }
0x7: {  	_ = 	snop  }
__scs_overlays_trampoline_lowered:
0x8: {  	[smem:$0x3F7C] =	sst s0  }
0x9: {  	[smem:$0x3F7D] =	sst s1  }
0xa: {  	[smem:$0x3F7E] =	sst s2  }
0xb: {  	[smem:$0x3F7F] =	sst s3  }
0xc: {  	[smem:$0x3F80] =	sst s4  }
0xd: {  	[smem:$0x3F81] =	sst s5  }
0xe: {  	[smem:$0x3F82] =	sst s6  }
0xf: {  	[smem:$0x3F83] =	sst s7  }
0x10: {  	[smem:$0x3F84] =	sst s8  }
0x11: {  	[smem:$0x3F85] =	sst s9;
	s0 =	simm.s32 @!p0 $0x0  }
0x12: {  	s1 =	sld [smem:$0x3F6B];
	s0 =	simm.s32 @p0 $0x1  }
0x13: {  	[smem:$0x3F86] =	sst s0;
	s0 =	simm.s32 @!p1 $0x0  }
0x14: {  	s2 =	sld [smem:$0x3F6A];
	s0 =	simm.s32 @p1 $0x1  }
0x15: {  	[smem:$0x3F87] =	sst s0;
	s0 =	simm.s32 @!p2 $0x0  }
0x16: {  	s3 =	sld [smem:$0x3FDB];
	s0 =	simm.s32 @p2 $0x1  }
0x17: {  	s4 =	simm.s32 $0x1BF5;
	[smem:$0x3F89] =	sst s0  }
0x18: {  	s0 =	sld [smem:$0x3F6C];
	_ =	swait.ge [sflag:s4], $0x0  }
0x19: {  	s7 =	sld [smem:$0x3F6D]  }
0x1a: {  	s8 =	sadd.s32 $0xFFFFE003, lr  }
0x1b: {  	s9 =	sadd.s32 $0xFFFFFEF7, lr;
	s5 =	simm.s32 $0xFFFFFFFF;
	p2 =	slt.u32 s8, $0xFFFFF086  }
0x1c: {  	p1 =	slt.u32 s9, $0xF7A;
	s5 =	simm.s32 @!p2 $0x0  }
0x1d: {  	s5 =	simm.s32 @p1 $0x1;
	p0 =	seq.s32 s7, s2  }
0x1e: {  	s7 =	smul.u32 @!p0 $0xF7A, s2;
	p2 =	seq.s32 @!p0 s5, $0x0  }
0x1f: {  	s9 =	smul.u32 $0xF7A, s1;
	s8 =	simm.s32 @!p0 $0x1BF5;
	p2 =	por !p2, p0  }
0x20: {  	[sflag:s8] =	ssyncset.s32 @!p0 $0xFFFFF086;
	s6 =	sadd.s32 @!p0 s3, s7;
	s7 =	simm.s32 @!p0 $0x108  }
0x21: {  	s3 =	sadd.s32 s3, s9;
	s6 =	sadd.s32 @!p0 $0x88, s6;
	s7 =	simm.s32 @p2 $0x1082  }
0x22: {  	[simem:s7], [sflag:s8] =	dma.local @!p0 [hbm:s6], $0xF7A  }
0x23: {  	s9 =	sor.u32 $0xD0000000, s2;
	s6 =	simm.s32 $0x108;
	_ =	swait.ge @!p0 [sflag:s8], $0x0  }
0x24: {  	s3 =	sadd.s32 $0x88, s3;
	s6 =	simm.s32 @!p1 $0x1082;
	[sflag:s4] =	ssyncset.s32 $0xFFFFF086  }
0x25: {  	[simem:s6], [sflag:s4] =	dma.local [hbm:s3], $0xF7A  }
0x26: {  	[smem:$0x3F6D] =	sst s1;
	(tag) =	ssettag s2;
	_ =	strace s9  }
0x27: {  	s1 =	sld [smem:$0x3F7D]  }
0x28: {  	s2 =	sld [smem:$0x3F7E]  }
0x29: {  	s4 =	sld [smem:$0x3F80]  }
0x2a: {  	p0 =	seq.s32 s5, $0x0;
	s5 =	sld [smem:$0x3F81]  }
0x2b: {  	s6 =	sld [smem:$0x3F82]  }
0x2c: {  	s7 =	sld [smem:$0x3F83]  }
0x2d: {  	s3 =	simm.s32 $0x108;
	s8 =	sld [smem:$0x3F84]  }
0x2e: {  	s3 =	simm.s32 @!p0 $0x1082;
	s9 =	sld [smem:$0x3F85]  }
0x2f: {  	lr =	sadd.s32 s0, s3;
	s0 =	sld [smem:$0x3F7C]  }
0x30: {  	s3 =	sld [smem:$0x3F7F]  }
0x31: {  	[smem:$0x3F88] =	sst s10  }
0x32: {  	s10 =	sld [smem:$0x3F86];
	_ =	sdelay $0x3  }
0x33: {  	p0 =	seq.s32 s10, $0x1;
	s10 =	sld [smem:$0x3F88];
	_ =	sdelay $0x3  }
0x34: {  	[smem:$0x3F88] =	sst s10  }
0x35: {  	s10 =	sld [smem:$0x3F87];
	_ =	sdelay $0x3  }
0x36: {  	p1 =	seq.s32 s10, $0x1;
	s10 =	sld [smem:$0x3F88];
	_ =	sdelay $0x3  }
0x37: {  	[smem:$0x3F88] =	sst s10  }
0x38: {  	s10 =	sld [smem:$0x3F89]  }
0x39: {  	_ = 	snop;
	(pc) =	sbr.ind lr, $3  }
0x3a: {  	_ = 	snop  }
0x3b: {  	_ = 	snop  }
0x3c: {  	p2 =	seq.s32 s10, $0x1;
	s10 =	sld [smem:$0x3F88]  }
0x3d: {  	_ =	shalt  }
0x3e: {  	_ =	shalt  }
0x3f: {  	_ =	shalt  }
0x40: {  	_ =	shalt  }
0x41: {  	_ =	shalt  }
0x42: {  	_ =	shalt  }
0x43: {  	_ =	shalt  }
0x44: {  	_ =	shalt  }
0x45: {  	_ =	shalt  }
0x46: {  	_ =	shalt  }
0x47: {  	_ =	shalt  }
0x48: {  	_ =	shalt  }
0x49: {  	_ =	shalt  }
0x4a: {  	_ =	shalt  }
0x4b: {  	_ =	shalt  }
0x4c: {  	_ =	shalt  }
0x4d: {  	_ =	shalt  }
0x4e: {  	_ =	shalt  }
0x4f: {  	_ =	shalt  }
0x50: {  	_ =	shalt  }
0x51: {  	_ =	shalt  }
0x52: {  	_ =	shalt  }
0x53: {  	_ =	shalt  }
0x54: {  	_ =	shalt  }
0x55: {  	_ =	shalt  }
0x56: {  	_ =	shalt  }
0x57: {  	_ =	shalt  }
0x58: {  	_ =	shalt  }
0x59: {  	_ =	shalt  }
0x5a: {  	_ =	shalt  }
0x5b: {  	_ =	shalt  }
0x5c: {  	_ =	shalt  }
0x5d: {  	_ =	shalt  }
0x5e: {  	_ =	shalt  }
0x5f: {  	_ =	shalt  }
0x60: {  	_ =	shalt  }
0x61: {  	_ =	shalt  }
0x62: {  	_ =	shalt  }
0x63: {  	_ =	shalt  }
0x64: {  	_ =	shalt  }
0x65: {  	_ =	shalt  }
0x66: {  	_ =	shalt  }
0x67: {  	_ =	shalt  }
0x68: {  	_ =	shalt  }
0x69: {  	_ =	shalt  }
0x6a: {  	_ =	shalt  }
0x6b: {  	_ =	shalt  }
0x6c: {  	_ =	shalt  }
0x6d: {  	_ =	shalt  }
0x6e: {  	_ =	shalt  }
0x6f: {  	_ =	shalt  }
0x70: {  	_ =	shalt  }
0x71: {  	_ =	shalt  }
0x72: {  	_ =	shalt  }
0x73: {  	_ =	shalt  }
0x74: {  	_ =	shalt  }
0x75: {  	_ =	shalt  }
0x76: {  	_ =	shalt  }
0x77: {  	_ =	shalt  }
0x78: {  	_ =	shalt  }
0x79: {  	_ =	shalt  }
0x7a: {  	_ =	shalt  }
0x7b: {  	_ =	shalt  }
0x7c: {  	_ =	shalt  }
0x7d: {  	_ =	shalt  }
0x7e: {  	_ =	shalt  }
0x7f: {  	_ =	shalt  }
0x80: {  	_ =	shalt  }
0x81: {  	_ =	shalt  }
0x82: {  	_ =	shalt  }
0x83: {  	_ =	shalt  }
0x84: {  	_ =	shalt  }
0x85: {  	_ =	shalt  }
0x86: {  	_ =	shalt  }
0x87: {  	_ =	shalt  }
.Lfunc_end0:
.L_simem_size_0:
called_computation.1_lowered:
.L_overlay_start_0:
0x88: {  	s2 =	sld [smem:$0x3FD9]  }
0x89: {  	s3 =	sld [smem:$0x3FFE];
	_ =	sdelay $0x1  }
0x8a: {  	s1 =	srdreg.scid  }
0x8b: {  	s0 =	sand.u32 $0x1, s1  }
0x8c: {  	s17 =	sshll.u32 s0, $0xA;
	s2 =	sadd.s32 s3, s2  }
0x8d: {  	s2 =	sadd.s32 s2, s17  }
0x8e: {  	[smem:$0x3F94] =	sst s2  }
0x8f: {  	_ = 	snop  }
0x90: {  	(tm) =	ssettm $0x1  }
0x91: {  	s18 =	sld [smem:$0x3FFB];
	_ =	sdelay $0x3  }
0x92: {  	_ =	strace s18  }
0x93: {  	s2 =	sld [smem:$0x3FFC];
	_ =	sdelay $0x3  }
0x94: {  	_ =	strace s2  }
0x95: {  	s2 =	sld [smem:$0x3FFD];
	_ =	sdelay $0x3  }
0x96: {  	_ =	strace s2  }
0x97: {  	_ =	strace $0x8FFFFFFF  }
0x98: {  	s19 =	sld [smem:$0x3FDB];
	_ =	sdelay $0x1  }
0x99: {  	s20 =	simm.s32 $_scs_section_size  }
0x9a: {  	s4 =	simm.s32 $_size__tile_overlayer_lowered;
	s5 =	simm.s32 $_tile_overlayer_lowered  }
0x9b: {  	s6 =	simm.s32 $0x1BFF;
	s21 =	sshll.u32 s5, $0x1;
	s3 =	sadd.s32 s20, s19  }
0x9c: {  	s22 =	simm.s32 $0x0;
	s4 =	sshll.u32 s4, $0x1;
	s5 =	sadd.s32 s21, s3  }
0x9d: {  	[timem:s22], [sflag:s6] =	dma.local [hbm:s5], s4  }
0x9e: {  	_ =	swait.ge [sflag:s6], s4  }
0x9f: {  	s4 =	ssub.s32 $0x0, s4;
	[sflag:s6] =	ssyncset.done $0x0  }
0xa0: {  	[sflag:s6] =	ssyncadd.s32 s4;
	_ =	sdelay $0x1  }
0xa1: {  	s23 =	simm.s32 $0x1B8B  }
0xa2: {  	_ =	swait.ge [sflag:s23], $0x1  }
0xa3: {  	[sflag:s23] =	ssyncset.done $0x0  }
0xa4: {  	[sflag:s23] =	ssyncadd.s32 $0xFFFFFFFF  }
0xa5: {  	s4 =	sld [smem:$0x0]  }
0xa6: {  	s5 =	sand.u32 $0xFFFFFFFE, s1  }
0xa7: {  	p0 =	sne.s32 s1, s5  }
0xa8: {  	s5 =	sshll.u32 @p0 s5, $0xE  }
0xa9: {  	s5 =	sadd.s32 @p0 $0x11B8D, s5;
	s6 =	sshll.u32 @p0 s4, $0x11  }
0xaa: {  	s5 =	sor.u32 @p0 s6, s5  }
0xab: {  	[sflag:s5] =	ssyncadd.remote.s32 @p0 $0x1;
	_ =	sdelay $0x1  }
0xac: {  	s5 =	simm.s32 @p0 $0x1B8D  }
0xad: {  	_ =	swait.eq @p0 [sflag:s5], $0x1  }
0xae: {  	[sflag:s5] =	ssyncadd.s32 @p0 $0xFFFFFFFF  }
0xaf: {  	s6 =	sshll.u32 @!p0 s1, $0xE  }
0xb0: {  	s6 =	sor.u32 @!p0 $0x4000, s6;
	s5 =	simm.s32 @!p0 $0x1B8D  }
0xb1: {  	s4 =	sshll.u32 @!p0 s4, $0x11;
	s6 =	sadd.s32 @!p0 $0x11B8D, s6;
	_ =	swait.eq @!p0 [sflag:s5], $0x1  }
0xb2: {  	s4 =	sor.u32 @!p0 s4, s6;
	[sflag:s5] =	ssyncadd.s32 @!p0 $0xFFFFFFFF  }
0xb3: {  	s25 =	simm.s32 $0x1B8E;
	s24 =	sld [smem:$0x3FFE];
	[sflag:s4] =	ssyncadd.remote.s32 @!p0 $0x1  }
0xb4: {  	s26 =	simm.s32 $execute0_lowered;
	[smem:$0x3FD2] =	sst s25  }
0xb5: {  	s5 =	sshll.u32 s26, $0x1;
	_ =	strace $0x80000049;
	[dreg:$0x1] =	wrdreg $0xFFFFFFFF  }
0xb6: {  	s28 =	simm.s32 $_size_execute0_lowered;
	s3 =	sadd.s32 s3, s5;
	[dreg:$0x0] =	wrdreg $0x0  }
0xb7: {  	s5 =	sshll.u32 s28, $0x1;
	[dreg:$0x2] =	wrdreg s3  }
0xb8: {  	[dreg:$0x3] =	wrdreg s5  }
0xb9: {  	[dreg:$0x4] =	wrdreg $0xC0  }
0xba: {  	_ =	task [dreg:s22], $0x5FFFF  }
0xbb: {  	[dreg:$0x1] =	wrdreg $0xFFFFFFFF  }
0xbc: {  	[dreg:$0x0] =	wrdreg $0x60  }
0xbd: {  	[dreg:$0x2] =	wrdreg s24  }
0xbe: {  	[dreg:$0x3] =	wrdreg $0xA  }
0xbf: {  	_ =	task.clear_ibuf [dreg:s22], $0x4FFFF;
	_ =	strace $0x90000049  }
0xc0: {  	s29 =	simm.s32 $0xA;
	_ =	strace $0x8000004B  }
0xc1: {  	_ =	swait.ge [sflag:s29], $0x1  }
0xc2: {  	[sflag:s29] =	ssyncadd.s32 $0xFFFFFFFF  }
0xc3: {  	_ =	strace $0x9000004B  }
0xc4: {  	_ =	sfence  }
0xc5: {  	s30 =	sld [smem:$0x0];
	_ =	sdelay $0x2  }
0xc6: {  	s31 =	sshll.u32 s1, $0xD;
	s1 =	sshrl.u32 s1, $0x2  }
0xc7: {  	s4 =	sand.u32 $0x4000, s31;
	s1 =	sadd.s32 s1, s30  }
0xc8: {  	s0 =	sor.u32 s4, s0;
	s1 =	sshll.u32 s1, $0x11  }
0xc9: {  	s0 =	sor.u32 s1, s0  }
0xca: {  	s0 =	sadd.s32 $0x8F2B, s0  }
0xcb: {  	[sflag:s0] =	ssyncadd.remote.s32 $0x1  }
0xcc: {  	_ =	sfence.sel $0xFFFF  }
0xcd: {  	[dreg:$0x0] =	wrdreg $0xFFFFFFFF;
	(pc) =	sbr.abs _section_cstart, $3  }
0xce: {  	[dreg:$0x1] =	wrdreg $0xFFFFFFFF  }
0xcf: {  	_ =	task.clear_ibuf [dreg:s22], $0x2FFFF;
	_ =	strace $0x9FFFFFFF  }
0xd0: {  	(tm) =	ssettm $0x7FFFFFFF  }
0xd1: {  	_ =	shalt  }
tec
execute0_lowered:
.L_overlay_start_1:
0x0: {  	(tag) =	ssettag $0x1  }
0x1: {  	s1 =	srdreg.scid  }
0x2: {  	s0 =	stileid.u32;
	s4 =	rddreg [dreg:$0x0]  }
0x3: {  	s19 =	simm.s32 $0x880;
	s20 =	simm.s32 $0xC80;
	s21 =	simm.s32 $0x1480  }
0x4: {  	s22 =	simm.s32 $0x1880;
	s23 =	simm.s32 $0x2080;
	s24 =	simm.s32 $0x2480  }
0x5: {  	s25 =	simm.s32 $0x2C80;
	s26 =	simm.s32 $0x3080;
	s7 =	simm.s32 $0x80  }
0x6: {  	s9 =	simm.s32 $0x3C80;
	s10 =	simm.s32 $0x4480;
	s1 =	sand.u32 $0x1, s1  }
0x7: {  	s11 =	simm.s32 $0x4880;
	s2 =	sshll.u32 s0, $0x8;
	s3 =	sshll.u32 s1, $0x7  }
0x8: {  	s12 =	simm.s32 $0x5080;
	s3 =	sor.u32 s3, s2;
	s2 =	simm.s32 $0x0  }
0x9: {  	s13 =	simm.s32 $0x5480;
	s14 =	simm.s32 $0x5C80;
	[smem:$0x7FF] =	sst s2  }
0xa: {  	s15 =	simm.s32 $0x6080;
	_ =	strace $0x8000004A;
	[dreg:$0x4] =	wrdreg s19  }
0xb: {  	s16 =	simm.s32 $0x6880;
	s17 =	simm.s32 $0x6C80;
	[dreg:$0x5] =	wrdreg s20  }
0xc: {  	s28 =	simm.s32 $0xA880;
	s29 =	simm.s32 $0xB080;
	[dreg:$0x6] =	wrdreg s21  }
0xd: {  	s30 =	simm.s32 $0xB480;
	s1 =	ssub.s32 $0x2, s1;
	[dreg:$0x7] =	wrdreg s22  }
0xe: {  	s31 =	simm.s32 $0xBC80;
	s6 =	sshrl.u32 s1, $0x1;
	[dreg:$0x8] =	wrdreg s23  }
0xf: {  	s5 =	sshrl.u32 s3, $0x3;
	s3 =	sshrl.u32 s3, $0x2;
	[dreg:$0x9] =	wrdreg s24  }
0x10: {  	s1 =	ssub.s32 s1, s6;
	s6 =	simm.s32 $0x2;
	[dreg:$0xa] =	wrdreg s25  }
0x11: {  	s5 =	smul.u32 $0x180, s5;
	s3 =	sadd.s32 s3, s4;
	[dreg:$0xb] =	wrdreg s26  }
0x12: {  	s19 =	simm.s32 $0x7880;
	s20 =	simm.s32 $0x8080;
	s21 =	simm.s32 $0x8480  }
0x13: {  	s22 =	simm.s32 $0x8C80;
	s23 =	simm.s32 $0x9080;
	s24 =	simm.s32 $0x9880  }
0x14: {  	s25 =	simm.s32 $0x9C80;
	s26 =	simm.s32 $0xA480;
	s3 =	sadd.s32 $0xD810, s3  }
0x15: {  	v2 =	vlaneseq.u32;
	s5 =	sadd.s32 s5, s4;
	[dreg:$0x2] =	wrdreg s3;
	s3 =	sadd.s32 $0x7800, s4  }
0x16: {  	vm0 =	vmmov $0xffff;
	vm1 =	vmmov $0xff;
	v1 =	vshrl.u32 v2, $0x3;
	s4 =	sadd.s32 $0x7900, s4;
	s18 =	sadd.s32 $0x3DC00, s5;
	s5 =	smax.u32 s1, $0x1  }
0x17: {  	v0 =	vand.u32 $0x7, v2;
	v2 =	vor.u32 $0x8, v2;
	v1 =	vmul.u32 $0x8, v1;
	s1 =	simm.s32 $0x1;
	[dreg:$0x3] =	wrdreg s18;
	s18 =	simm.s32 $0x7480  }
.LBB2_1:
0x18: {  	s0 =	rddreg [dreg:$0x2]  }
0x19: {  	[tilespmem:s2], [sflag:$0x2] =	stream.linear.gather [hbm4b:s0+s2], $0x80, $0x38;
	[tilespmem:$0xC080] =	vst v63  }
0x1a: {  	_ =	swait.ge [sflag:s6], $0x80  }
0x1b: {  	[sflag:s6] =	ssyncset.done $0x0  }
0x1c: {  	[sflag:s6] =	ssyncadd.s32 $0xFFFFFF80  }
0x1d: {  	v3 =	vld [tilespmem:$0x0];
	_ =	sdelay $0x4  }
0x1e: {  	v4 =	vshrl.u32 v3, $0x3  }
0x1f: {  	v4 =	vmul.u32 $0x18, v4  }
0x20: {  	v3 =	vand.u32 $0x7, v3  }
0x21: {  	v3 =	vor.u32 v3, v4  }
0x22: {  	v4 =	vperm.xlane v3, v0;
	_ =	sdelay $0x1  }
0x23: {  	v4 =	vadd.s32 v1, v4;
	_ =	sdelay $0x1  }
0x24: {  	v3 =	vperm.xlane v3, v2;
	_ =	sdelay $0x1  }
0x25: {  	v3 =	vadd.s32 v1, v3  }
0x26: {  	[tilespmem:s7], [sflag:$0x1] =	stream.indirect_vreg.gather [hbm4b:s3+s2], $0x80, v4, vm0, $0xb8;
	[tilespmem:$0xC080] =	vst v63  }
0x27: {  	s0 =	rddreg [dreg:$0x4]  }
0x28: {  	[tilespmem:s0], [sflag:$0x1] =	stream.indirect_vreg.gather [hbm4b:s4+s2], $0x80, v4, vm1, $0xb8;
	[tilespmem:$0xC080] =	vst v63  }
0x29: {  	s8 =	rddreg [dreg:$0x5]  }
0x2a: {  	[tilespmem:s8], [sflag:$0x1] =	stream.indirect_vreg.gather [hbm4b:s3+s2], $0x80, v3, vm0, $0xb8;
	[tilespmem:$0xC080] =	vst v63  }
0x2b: {  	s0 =	rddreg [dreg:$0x6]  }
0x2c: {  	[tilespmem:s0], [sflag:$0x1] =	stream.indirect_vreg.gather [hbm4b:s4+s2], $0x80, v3, vm1, $0xb8;
	[tilespmem:$0xC080] =	vst v63  }
0x2d: {  	v3 =	vld [tilespmem:$0x10];
	_ =	sdelay $0x4  }
0x2e: {  	v57 =	vshrl.u32 v3, $0x3  }
0x2f: {  	v4 =	vmul.u32 $0x18, v57  }
0x30: {  	v3 =	vand.u32 $0x7, v3  }
0x31: {  	v3 =	vor.u32 v3, v4  }
0x32: {  	v4 =	vperm.xlane v3, v0;
	_ =	sdelay $0x1  }
0x33: {  	v4 =	vadd.s32 v1, v4;
	_ =	sdelay $0x1  }
0x34: {  	v3 =	vperm.xlane v3, v2;
	_ =	sdelay $0x1  }
0x35: {  	s0 =	rddreg [dreg:$0x7];
	v3 =	vadd.s32 v1, v3  }
0x36: {  	[tilespmem:s0], [sflag:$0x1] =	stream.indirect_vreg.gather [hbm4b:s3+s2], $0x80, v4, vm0, $0xb8;
	[tilespmem:$0xC080] =	vst v63  }
0x37: {  	s8 =	rddreg [dreg:$0x8]  }
0x38: {  	[tilespmem:s8], [sflag:$0x1] =	stream.indirect_vreg.gather [hbm4b:s4+s2], $0x80, v4, vm1, $0xb8;
	[tilespmem:$0xC080] =	vst v63  }
0x39: {  	s0 =	rddreg [dreg:$0x9]  }
0x3a: {  	[tilespmem:s0], [sflag:$0x1] =	stream.indirect_vreg.gather [hbm4b:s3+s2], $0x80, v3, vm0, $0xb8;
	[tilespmem:$0xC080] =	vst v63  }
0x3b: {  	s8 =	rddreg [dreg:$0xa]  }
0x3c: {  	[tilespmem:s8], [sflag:$0x1] =	stream.indirect_vreg.gather [hbm4b:s4+s2], $0x80, v3, vm1, $0xb8;
	[tilespmem:$0xC080] =	vst v63  }
0x3d: {  	v3 =	vld [tilespmem:$0x20];
	_ =	sdelay $0x4  }
0x3e: {  	v58 =	vshrl.u32 v3, $0x3  }
0x3f: {  	v4 =	vmul.u32 $0x18, v58  }
0x40: {  	v3 =	vand.u32 $0x7, v3  }
0x41: {  	v3 =	vor.u32 v3, v4  }
0x42: {  	v4 =	vperm.xlane v3, v0;
	_ =	sdelay $0x1  }
0x43: {  	v4 =	vadd.s32 v1, v4;
	_ =	sdelay $0x1  }
0x44: {  	v3 =	vperm.xlane v3, v2;
	_ =	sdelay $0x1  }
0x45: {  	s8 =	rddreg [dreg:$0xb];
	v3 =	vadd.s32 v1, v3  }
0x46: {  	[tilespmem:s8], [sflag:$0x1] =	stream.indirect_vreg.gather [hbm4b:s3+s2], $0x80, v4, vm0, $0xb8;
	[tilespmem:$0xC080] =	vst v63  }
0x47: {  	s8 =	simm.s32 $0x3880  }
0x48: {  	[tilespmem:s8], [sflag:$0x1] =	stream.indirect_vreg.gather [hbm4b:s4+s2], $0x80, v4, vm1, $0xb8;
	[tilespmem:$0xC080] =	vst v63  }
0x49: {  	_ = 	snop  }
0x4a: {  	[tilespmem:s9], [sflag:$0x1] =	stream.indirect_vreg.gather [hbm4b:s3+s2], $0x80, v3, vm0, $0xb8;
	[tilespmem:$0xC080] =	vst v63  }
0x4b: {  	_ = 	snop  }
0x4c: {  	[tilespmem:s10], [sflag:$0x1] =	stream.indirect_vreg.gather [hbm4b:s4+s2], $0x80, v3, vm1, $0xb8;
	[tilespmem:$0xC080] =	vst v63  }
0x4d: {  	v3 =	vld [tilespmem:$0x30];
	_ =	sdelay $0x4  }
0x4e: {  	v59 =	vshrl.u32 v3, $0x3  }
0x4f: {  	v4 =	vmul.u32 $0x18, v59  }
0x50: {  	v3 =	vand.u32 $0x7, v3  }
0x51: {  	v3 =	vor.u32 v3, v4  }
0x52: {  	v4 =	vperm.xlane v3, v0;
	_ =	sdelay $0x1  }
0x53: {  	v4 =	vadd.s32 v1, v4;
	_ =	sdelay $0x1  }
0x54: {  	v3 =	vperm.xlane v3, v2;
	_ =	sdelay $0x1  }
0x55: {  	v3 =	vadd.s32 v1, v3  }
0x56: {  	[tilespmem:s11], [sflag:$0x1] =	stream.indirect_vreg.gather [hbm4b:s3+s2], $0x80, v4, vm0, $0xb8;
	[tilespmem:$0xC080] =	vst v63  }
0x57: {  	_ = 	snop  }
0x58: {  	[tilespmem:s12], [sflag:$0x1] =	stream.indirect_vreg.gather [hbm4b:s4+s2], $0x80, v4, vm1, $0xb8;
	[tilespmem:$0xC080] =	vst v63  }
0x59: {  	_ = 	snop  }
0x5a: {  	[tilespmem:s13], [sflag:$0x1] =	stream.indirect_vreg.gather [hbm4b:s3+s2], $0x80, v3, vm0, $0xb8;
	[tilespmem:$0xC080] =	vst v63  }
0x5b: {  	_ = 	snop  }
0x5c: {  	[tilespmem:s14], [sflag:$0x1] =	stream.indirect_vreg.gather [hbm4b:s4+s2], $0x80, v3, vm1, $0xb8;
	[tilespmem:$0xC080] =	vst v63  }
0x5d: {  	v3 =	vld [tilespmem:$0x40];
	_ =	sdelay $0x4  }
0x5e: {  	v60 =	vshrl.u32 v3, $0x3  }
0x5f: {  	v4 =	vmul.u32 $0x18, v60  }
0x60: {  	v3 =	vand.u32 $0x7, v3  }
0x61: {  	v3 =	vor.u32 v3, v4  }
0x62: {  	v4 =	vperm.xlane v3, v0;
	_ =	sdelay $0x1  }
0x63: {  	v4 =	vadd.s32 v1, v4;
	_ =	sdelay $0x1  }
0x64: {  	v3 =	vperm.xlane v3, v2;
	_ =	sdelay $0x1  }
0x65: {  	v3 =	vadd.s32 v1, v3  }
0x66: {  	[tilespmem:s15], [sflag:$0x1] =	stream.indirect_vreg.gather [hbm4b:s3+s2], $0x80, v4, vm0, $0xb8;
	[tilespmem:$0xC080] =	vst v63  }
0x67: {  	_ = 	snop  }
0x68: {  	[tilespmem:s16], [sflag:$0x1] =	stream.indirect_vreg.gather [hbm4b:s4+s2], $0x80, v4, vm1, $0xb8;
	[tilespmem:$0xC080] =	vst v63  }
0x69: {  	_ = 	snop  }
0x6a: {  	[tilespmem:s17], [sflag:$0x1] =	stream.indirect_vreg.gather [hbm4b:s3+s2], $0x80, v3, vm0, $0xb8;
	[tilespmem:$0xC080] =	vst v63  }
0x6b: {  	_ = 	snop  }
0x6c: {  	[tilespmem:s18], [sflag:$0x1] =	stream.indirect_vreg.gather [hbm4b:s4+s2], $0x80, v3, vm1, $0xb8;
	[tilespmem:$0xC080] =	vst v63  }
0x6d: {  	v3 =	vld [tilespmem:$0x50];
	_ =	sdelay $0x4  }
0x6e: {  	v61 =	vshrl.u32 v3, $0x3  }
0x6f: {  	v4 =	vmul.u32 $0x18, v61  }
0x70: {  	v3 =	vand.u32 $0x7, v3  }
0x71: {  	v3 =	vor.u32 v3, v4  }
0x72: {  	v4 =	vperm.xlane v3, v0;
	_ =	sdelay $0x1  }
0x73: {  	v4 =	vadd.s32 v1, v4;
	_ =	sdelay $0x1  }
0x74: {  	v3 =	vperm.xlane v3, v2;
	_ =	sdelay $0x1  }
0x75: {  	v3 =	vadd.s32 v1, v3  }
0x76: {  	[tilespmem:s19], [sflag:$0x1] =	stream.indirect_vreg.gather [hbm4b:s3+s2], $0x80, v4, vm0, $0xb8;
	[tilespmem:$0xC080] =	vst v63  }
0x77: {  	_ = 	snop  }
0x78: {  	[tilespmem:s20], [sflag:$0x1] =	stream.indirect_vreg.gather [hbm4b:s4+s2], $0x80, v4, vm1, $0xb8;
	[tilespmem:$0xC080] =	vst v63  }
0x79: {  	_ = 	snop  }
0x7a: {  	[tilespmem:s21], [sflag:$0x1] =	stream.indirect_vreg.gather [hbm4b:s3+s2], $0x80, v3, vm0, $0xb8;
	[tilespmem:$0xC080] =	vst v63  }
0x7b: {  	_ = 	snop  }
0x7c: {  	[tilespmem:s22], [sflag:$0x1] =	stream.indirect_vreg.gather [hbm4b:s4+s2], $0x80, v3, vm1, $0xb8;
	[tilespmem:$0xC080] =	vst v63  }
0x7d: {  	v3 =	vld [tilespmem:$0x60];
	_ =	sdelay $0x4  }
0x7e: {  	v62 =	vshrl.u32 v3, $0x3  }
0x7f: {  	v4 =	vmul.u32 $0x18, v62  }
0x80: {  	v3 =	vand.u32 $0x7, v3  }
0x81: {  	v3 =	vor.u32 v3, v4  }
0x82: {  	v4 =	vperm.xlane v3, v0;
	_ =	sdelay $0x1  }
0x83: {  	v4 =	vadd.s32 v1, v4;
	_ =	sdelay $0x1  }
0x84: {  	v3 =	vperm.xlane v3, v2;
	_ =	sdelay $0x1  }
0x85: {  	v3 =	vadd.s32 v1, v3  }
0x86: {  	[tilespmem:s23], [sflag:$0x1] =	stream.indirect_vreg.gather [hbm4b:s3+s2], $0x80, v4, vm0, $0xb8;
	[tilespmem:$0xC080] =	vst v63  }
0x87: {  	_ = 	snop  }
0x88: {  	[tilespmem:s24], [sflag:$0x1] =	stream.indirect_vreg.gather [hbm4b:s4+s2], $0x80, v4, vm1, $0xb8;
	[tilespmem:$0xC080] =	vst v63  }
0x89: {  	_ = 	snop  }
0x8a: {  	[tilespmem:s25], [sflag:$0x1] =	stream.indirect_vreg.gather [hbm4b:s3+s2], $0x80, v3, vm0, $0xb8;
	[tilespmem:$0xC080] =	vst v63  }
0x8b: {  	_ = 	snop  }
0x8c: {  	[tilespmem:s26], [sflag:$0x1] =	stream.indirect_vreg.gather [hbm4b:s4+s2], $0x80, v3, vm1, $0xb8;
	[tilespmem:$0xC080] =	vst v63  }
0x8d: {  	v3 =	vld [tilespmem:$0x70];
	_ =	sdelay $0x4  }
0x8e: {  	v63 =	vshrl.u32 v3, $0x3  }
0x8f: {  	v4 =	vmul.u32 $0x18, v63  }
0x90: {  	v3 =	vand.u32 $0x7, v3  }
0x91: {  	v3 =	vor.u32 v3, v4  }
0x92: {  	v4 =	vperm.xlane v3, v0;
	_ =	sdelay $0x1  }
0x93: {  	v4 =	vadd.s32 v1, v4;
	_ =	sdelay $0x1  }
0x94: {  	v3 =	vperm.xlane v3, v2;
	_ =	sdelay $0x1  }
0x95: {  	v3 =	vadd.s32 v1, v3  }
0x96: {  	[tilespmem:s28], [sflag:$0x1] =	stream.indirect_vreg.gather [hbm4b:s3+s2], $0x80, v4, vm0, $0xb8;
	[tilespmem:$0xC080] =	vst v63  }
0x97: {  	_ = 	snop  }
0x98: {  	[tilespmem:s29], [sflag:$0x1] =	stream.indirect_vreg.gather [hbm4b:s4+s2], $0x80, v4, vm1, $0xb8;
	[tilespmem:$0xC080] =	vst v63  }
0x99: {  	_ = 	snop  }
0x9a: {  	[tilespmem:s30], [sflag:$0x1] =	stream.indirect_vreg.gather [hbm4b:s3+s2], $0x80, v3, vm0, $0xb8;
	[tilespmem:$0xC080] =	vst v63  }
0x9b: {  	_ = 	snop  }
0x9c: {  	[tilespmem:s31], [sflag:$0x1] =	stream.indirect_vreg.gather [hbm4b:s4+s2], $0x80, v3, vm1, $0xb8;
	[tilespmem:$0xC080] =	vst v63  }
0x9d: {  	_ =	swait.ge [sflag:s1], $0xC000  }
0x9e: {  	p0 =	sne.s32 s5, $0x1;
	[sflag:s1] =	ssyncset.done $0x0  }
.Ltmp0:
0x9f: {  	s8 =	rddreg [dreg:$0x3];
	[sflag:s1] =	ssyncadd.s32 $0xFFFF4000;
	(pc) =	sbr.rel @p0 .LBB2_1-.Ltmp0, $4  }
0xa0: {  	[hbm4b:s8+s2] =	stream.linear.scatter [tilespmem:s7], [sflag:$0x2], $0xC000, $0x38;
	[tilespmem:$0xC080] =	vst v63  }
0xa1: {  	_ =	swait.ge [sflag:s6], $0xC000  }
0xa2: {  	[sflag:s6] =	ssyncset.done $0x0  }
0xa3: {  	s5 =	sadd.s32 $0xFFFFFFFF, s5;
	[sflag:s6] =	ssyncadd.s32 $0xFFFF4000  }
0xa4: {  	_ =	sfence.sel $0x180000  }
0xa5: {  	[bflag:$0x0] =	sbarrier.arrive $0xFFFF  }
0xa6: {  	_ =	strace $0x9000004A  }
0xa7: {  	s0 =	stileid.u32;
	[bflag:$0x2] =	sbarrier.arrive $0xFFFF  }
0xa8: {  	p0 =	sne.s32 s0, $0x0;
	s0 =	rddreg [dreg:$0x1]  }
0xa9: {  	s0 =	sadd.s32 @!p0 $0x100000, s0  }
0xaa: {  	[sflag:s0] =	ssyncadd.tile.s32 @!p0 $0x1;
	_ =	shalt  }
.Lfunc_end2:
_tile_overlayer_lowered:
.L_overlay_start_2:
0xab: {  	(tag) =	ssettag $0x2  }
0xac: {  	s0 =	rddreg [dreg:$0x0];
	s2 =	stileid.u32  }
0xad: {  	s1 =	rddreg [dreg:$0x1];
	p0 =	sne.s32 s2, $0x0  }
0xae: {  	s3 =	rddreg [dreg:$0x2];
	[bflag:$0x3] =	sbarrier.arrive $0xFFFF;
	s2 =	simm.s32 @!p0 $0x1C02  }
0xaf: {  	[timem:s3], [sflag:s2] =	dma.local @!p0 [hbm:s0], s1  }
0xb0: {  	s0 =	simm.s32 @!p0 $0x2  }
0xb1: {  	_ =	swait.ge @!p0 [sflag:s0], s1  }
0xb2: {  	s1 =	ssub.s32 @!p0 $0x0, s1;
	[sflag:s0] =	ssyncset.done @!p0 $0x0  }
0xb3: {  	[sflag:s0] =	ssyncadd.s32 @!p0 s1  }
0xb4: {  	[bflag:$0x3] =	sbarrier.arrive $0xFFFF  }
0xb5: {  	_ =	shalt  }

// kernel: kernel.8.cloned.1.call-start
scs
__scs_entry_jumppad:
0x0: {  	(pc) =	sbr.rel $0x88, $3  }
0x1: {  	(tag) =	ssettag $0x0;
	lr =	simm.s32 $0x1  }
0x2: {  	[smem:$0x3F6D] =	sst lr;
	_ =	strace $0xD0000000  }
0x3: {  	_ = 	snop  }
0x4: {  	_ = 	snop  }
0x5: {  	_ = 	snop  }
0x6: {  	_ = 	snop  }
0x7: {  	_ = 	snop  }
__scs_overlays_trampoline_lowered:
0x8: {  	[smem:$0x3F7C] =	sst s0  }
0x9: {  	[smem:$0x3F7D] =	sst s1  }
0xa: {  	[smem:$0x3F7E] =	sst s2  }
0xb: {  	[smem:$0x3F7F] =	sst s3  }
0xc: {  	[smem:$0x3F80] =	sst s4  }
0xd: {  	[smem:$0x3F81] =	sst s5  }
0xe: {  	[smem:$0x3F82] =	sst s6  }
0xf: {  	[smem:$0x3F83] =	sst s7  }
0x10: {  	[smem:$0x3F84] =	sst s8  }
0x11: {  	[smem:$0x3F85] =	sst s9;
	s0 =	simm.s32 @!p0 $0x0  }
0x12: {  	s1 =	sld [smem:$0x3F6B];
	s0 =	simm.s32 @p0 $0x1  }
0x13: {  	[smem:$0x3F86] =	sst s0;
	s0 =	simm.s32 @!p1 $0x0  }
0x14: {  	s2 =	sld [smem:$0x3F6A];
	s0 =	simm.s32 @p1 $0x1  }
0x15: {  	[smem:$0x3F87] =	sst s0;
	s0 =	simm.s32 @!p2 $0x0  }
0x16: {  	s3 =	sld [smem:$0x3FDB];
	s0 =	simm.s32 @p2 $0x1  }
0x17: {  	s4 =	simm.s32 $0x1BF5;
	[smem:$0x3F89] =	sst s0  }
0x18: {  	s0 =	sld [smem:$0x3F6C];
	_ =	swait.ge [sflag:s4], $0x0  }
0x19: {  	s7 =	sld [smem:$0x3F6D]  }
0x1a: {  	s8 =	sadd.s32 $0xFFFFE003, lr  }
0x1b: {  	s9 =	sadd.s32 $0xFFFFFEF7, lr;
	s5 =	simm.s32 $0xFFFFFFFF;
	p2 =	slt.u32 s8, $0xFFFFF086  }
0x1c: {  	p1 =	slt.u32 s9, $0xF7A;
	s5 =	simm.s32 @!p2 $0x0  }
0x1d: {  	s5 =	simm.s32 @p1 $0x1;
	p0 =	seq.s32 s7, s2  }
0x1e: {  	s7 =	smul.u32 @!p0 $0xF7A, s2;
	p2 =	seq.s32 @!p0 s5, $0x0  }
0x1f: {  	s9 =	smul.u32 $0xF7A, s1;
	s8 =	simm.s32 @!p0 $0x1BF5;
	p2 =	por !p2, p0  }
0x20: {  	[sflag:s8] =	ssyncset.s32 @!p0 $0xFFFFF086;
	s6 =	sadd.s32 @!p0 s3, s7;
	s7 =	simm.s32 @!p0 $0x108  }
0x21: {  	s3 =	sadd.s32 s3, s9;
	s6 =	sadd.s32 @!p0 $0x88, s6;
	s7 =	simm.s32 @p2 $0x1082  }
0x22: {  	[simem:s7], [sflag:s8] =	dma.local @!p0 [hbm:s6], $0xF7A  }
0x23: {  	s9 =	sor.u32 $0xD0000000, s2;
	s6 =	simm.s32 $0x108;
	_ =	swait.ge @!p0 [sflag:s8], $0x0  }
0x24: {  	s3 =	sadd.s32 $0x88, s3;
	s6 =	simm.s32 @!p1 $0x1082;
	[sflag:s4] =	ssyncset.s32 $0xFFFFF086  }
0x25: {  	[simem:s6], [sflag:s4] =	dma.local [hbm:s3], $0xF7A  }
0x26: {  	[smem:$0x3F6D] =	sst s1;
	(tag) =	ssettag s2;
	_ =	strace s9  }
0x27: {  	s1 =	sld [smem:$0x3F7D]  }
0x28: {  	s2 =	sld [smem:$0x3F7E]  }
0x29: {  	s4 =	sld [smem:$0x3F80]  }
0x2a: {  	p0 =	seq.s32 s5, $0x0;
	s5 =	sld [smem:$0x3F81]  }
0x2b: {  	s6 =	sld [smem:$0x3F82]  }
0x2c: {  	s7 =	sld [smem:$0x3F83]  }
0x2d: {  	s3 =	simm.s32 $0x108;
	s8 =	sld [smem:$0x3F84]  }
0x2e: {  	s3 =	simm.s32 @!p0 $0x1082;
	s9 =	sld [smem:$0x3F85]  }
0x2f: {  	lr =	sadd.s32 s0, s3;
	s0 =	sld [smem:$0x3F7C]  }
0x30: {  	s3 =	sld [smem:$0x3F7F]  }
0x31: {  	[smem:$0x3F88] =	sst s10  }
0x32: {  	s10 =	sld [smem:$0x3F86];
	_ =	sdelay $0x3  }
0x33: {  	p0 =	seq.s32 s10, $0x1;
	s10 =	sld [smem:$0x3F88];
	_ =	sdelay $0x3  }
0x34: {  	[smem:$0x3F88] =	sst s10  }
0x35: {  	s10 =	sld [smem:$0x3F87];
	_ =	sdelay $0x3  }
0x36: {  	p1 =	seq.s32 s10, $0x1;
	s10 =	sld [smem:$0x3F88];
	_ =	sdelay $0x3  }
0x37: {  	[smem:$0x3F88] =	sst s10  }
0x38: {  	s10 =	sld [smem:$0x3F89]  }
0x39: {  	_ = 	snop;
	(pc) =	sbr.ind lr, $3  }
0x3a: {  	_ = 	snop  }
0x3b: {  	_ = 	snop  }
0x3c: {  	p2 =	seq.s32 s10, $0x1;
	s10 =	sld [smem:$0x3F88]  }
0x3d: {  	_ =	shalt  }
0x3e: {  	_ =	shalt  }
0x3f: {  	_ =	shalt  }
0x40: {  	_ =	shalt  }
0x41: {  	_ =	shalt  }
0x42: {  	_ =	shalt  }
0x43: {  	_ =	shalt  }
0x44: {  	_ =	shalt  }
0x45: {  	_ =	shalt  }
0x46: {  	_ =	shalt  }
0x47: {  	_ =	shalt  }
0x48: {  	_ =	shalt  }
0x49: {  	_ =	shalt  }
0x4a: {  	_ =	shalt  }
0x4b: {  	_ =	shalt  }
0x4c: {  	_ =	shalt  }
0x4d: {  	_ =	shalt  }
0x4e: {  	_ =	shalt  }
0x4f: {  	_ =	shalt  }
0x50: {  	_ =	shalt  }
0x51: {  	_ =	shalt  }
0x52: {  	_ =	shalt  }
0x53: {  	_ =	shalt  }
0x54: {  	_ =	shalt  }
0x55: {  	_ =	shalt  }
0x56: {  	_ =	shalt  }
0x57: {  	_ =	shalt  }
0x58: {  	_ =	shalt  }
0x59: {  	_ =	shalt  }
0x5a: {  	_ =	shalt  }
0x5b: {  	_ =	shalt  }
0x5c: {  	_ =	shalt  }
0x5d: {  	_ =	shalt  }
0x5e: {  	_ =	shalt  }
0x5f: {  	_ =	shalt  }
0x60: {  	_ =	shalt  }
0x61: {  	_ =	shalt  }
0x62: {  	_ =	shalt  }
0x63: {  	_ =	shalt  }
0x64: {  	_ =	shalt  }
0x65: {  	_ =	shalt  }
0x66: {  	_ =	shalt  }
0x67: {  	_ =	shalt  }
0x68: {  	_ =	shalt  }
0x69: {  	_ =	shalt  }
0x6a: {  	_ =	shalt  }
0x6b: {  	_ =	shalt  }
0x6c: {  	_ =	shalt  }
0x6d: {  	_ =	shalt  }
0x6e: {  	_ =	shalt  }
0x6f: {  	_ =	shalt  }
0x70: {  	_ =	shalt  }
0x71: {  	_ =	shalt  }
0x72: {  	_ =	shalt  }
0x73: {  	_ =	shalt  }
0x74: {  	_ =	shalt  }
0x75: {  	_ =	shalt  }
0x76: {  	_ =	shalt  }
0x77: {  	_ =	shalt  }
0x78: {  	_ =	shalt  }
0x79: {  	_ =	shalt  }
0x7a: {  	_ =	shalt  }
0x7b: {  	_ =	shalt  }
0x7c: {  	_ =	shalt  }
0x7d: {  	_ =	shalt  }
0x7e: {  	_ =	shalt  }
0x7f: {  	_ =	shalt  }
0x80: {  	_ =	shalt  }
0x81: {  	_ =	shalt  }
0x82: {  	_ =	shalt  }
0x83: {  	_ =	shalt  }
0x84: {  	_ =	shalt  }
0x85: {  	_ =	shalt  }
0x86: {  	_ =	shalt  }
0x87: {  	_ =	shalt  }
.Lfunc_end0:
.L_simem_size_0:
called_computation_lowered:
.L_overlay_start_0:
0x88: {  	s2 =	sld [smem:$0x3FD9]  }
0x89: {  	s3 =	sld [smem:$0x3FFE];
	_ =	sdelay $0x1  }
0x8a: {  	s1 =	srdreg.scid  }
0x8b: {  	s0 =	sand.u32 $0x1, s1  }
0x8c: {  	s16 =	sshll.u32 s0, $0xA;
	s2 =	sadd.s32 s3, s2  }
0x8d: {  	s2 =	sadd.s32 s2, s16  }
0x8e: {  	[smem:$0x3F94] =	sst s2  }
0x8f: {  	_ = 	snop  }
0x90: {  	(tm) =	ssettm $0x1  }
0x91: {  	s17 =	sld [smem:$0x3FFB];
	_ =	sdelay $0x3  }
0x92: {  	_ =	strace s17  }
0x93: {  	s2 =	sld [smem:$0x3FFC];
	_ =	sdelay $0x3  }
0x94: {  	_ =	strace s2  }
0x95: {  	s2 =	sld [smem:$0x3FFD];
	_ =	sdelay $0x3  }
0x96: {  	_ =	strace s2  }
0x97: {  	_ =	strace $0x8FFFFFFF  }
0x98: {  	s18 =	sld [smem:$0x3FDB];
	_ =	sdelay $0x1  }
0x99: {  	s19 =	simm.s32 $_scs_section_size  }
0x9a: {  	s4 =	simm.s32 $_size__tile_overlayer_lowered;
	s5 =	simm.s32 $_tile_overlayer_lowered  }
0x9b: {  	s22 =	simm.s32 $0x1BFF;
	s21 =	sshll.u32 s5, $0x1;
	s2 =	sadd.s32 s19, s18  }
0x9c: {  	s6 =	simm.s32 $0x0;
	s20 =	sshll.u32 s4, $0x1;
	s4 =	sadd.s32 s21, s2  }
0x9d: {  	[timem:s6], [sflag:s22] =	dma.local [hbm:s4], s20  }
0x9e: {  	_ =	swait.ge [sflag:s22], s20  }
0x9f: {  	s3 =	ssub.s32 $0x0, s20;
	[sflag:s22] =	ssyncset.done $0x0  }
0xa0: {  	[sflag:s22] =	ssyncadd.s32 s3;
	_ =	sdelay $0x1  }
0xa1: {  	s23 =	simm.s32 $0x1B8B  }
0xa2: {  	_ =	swait.ge [sflag:s23], $0x1  }
0xa3: {  	[sflag:s23] =	ssyncset.done $0x0  }
0xa4: {  	s25 =	simm.s32 $0x1B8E;
	s24 =	sld [smem:$0x3FFE];
	[sflag:s23] =	ssyncadd.s32 $0xFFFFFFFF  }
0xa5: {  	s26 =	simm.s32 $execute0_lowered;
	[smem:$0x3FD2] =	sst s25  }
0xa6: {  	s4 =	sshll.u32 s26, $0x1;
	_ =	strace $0x80000046;
	[dreg:$0x1] =	wrdreg $0xFFFFFFFF  }
0xa7: {  	s28 =	simm.s32 $_size_execute0_lowered;
	s2 =	sadd.s32 s2, s4;
	[dreg:$0x0] =	wrdreg $0x0  }
0xa8: {  	s4 =	sshll.u32 s28, $0x1;
	[dreg:$0x2] =	wrdreg s2  }
0xa9: {  	[dreg:$0x3] =	wrdreg s4  }
0xaa: {  	[dreg:$0x4] =	wrdreg $0xC0  }
0xab: {  	_ =	task [dreg:s6], $0x5FFFF  }
0xac: {  	[dreg:$0x1] =	wrdreg $0xFFFFFFFF  }
0xad: {  	[dreg:$0x0] =	wrdreg $0x60  }
0xae: {  	[dreg:$0x2] =	wrdreg s24  }
0xaf: {  	[dreg:$0x3] =	wrdreg $0x9  }
0xb0: {  	_ =	task.clear_ibuf [dreg:s6], $0x4FFFF;
	_ =	strace $0x90000046  }
0xb1: {  	s29 =	simm.s32 $0x9;
	_ =	strace $0x80000048  }
0xb2: {  	_ =	swait.ge [sflag:s29], $0x1  }
0xb3: {  	[sflag:s29] =	ssyncadd.s32 $0xFFFFFFFF  }
0xb4: {  	_ =	strace $0x90000048  }
0xb5: {  	_ =	sfence  }
0xb6: {  	s30 =	sld [smem:$0x0];
	_ =	sdelay $0x2  }
0xb7: {  	s31 =	sshll.u32 s1, $0xD;
	s1 =	sshrl.u32 s1, $0x2  }
0xb8: {  	s3 =	sand.u32 $0x4000, s31;
	s1 =	sadd.s32 s1, s30  }
0xb9: {  	s0 =	sor.u32 s3, s0;
	s1 =	sshll.u32 s1, $0x11  }
0xba: {  	s0 =	sor.u32 s1, s0  }
0xbb: {  	s0 =	sadd.s32 $0x8F2B, s0  }
0xbc: {  	[sflag:s0] =	ssyncadd.remote.s32 $0x1  }
0xbd: {  	_ =	sfence.sel $0xFFFF  }
0xbe: {  	[dreg:$0x0] =	wrdreg $0xFFFFFFFF;
	(pc) =	sbr.abs _section_cstart, $3  }
0xbf: {  	[dreg:$0x1] =	wrdreg $0xFFFFFFFF  }
0xc0: {  	_ =	task.clear_ibuf [dreg:s6], $0x2FFFF;
	_ =	strace $0x9FFFFFFF  }
0xc1: {  	(tm) =	ssettm $0x7FFFFFFF  }
tec
execute0_lowered:
.L_overlay_start_1:
0x0: {  	(tag) =	ssettag $0x1  }
0x1: {  	s1 =	srdreg.scid  }
0x2: {  	s0 =	stileid.u32;
	s4 =	rddreg [dreg:$0x0]  }
0x3: {  	s19 =	simm.s32 $0x880;
	s20 =	simm.s32 $0xC80;
	s21 =	simm.s32 $0x1480  }
0x4: {  	s22 =	simm.s32 $0x1880;
	s23 =	simm.s32 $0x2080;
	s24 =	simm.s32 $0x2480  }
0x5: {  	s25 =	simm.s32 $0x2C80;
	s26 =	simm.s32 $0x3080;
	s7 =	simm.s32 $0x80  }
0x6: {  	s9 =	simm.s32 $0x3C80;
	s10 =	simm.s32 $0x4480;
	s1 =	sand.u32 $0x1, s1  }
0x7: {  	s11 =	simm.s32 $0x4880;
	s2 =	sshll.u32 s0, $0x8;
	s3 =	sshll.u32 s1, $0x7  }
0x8: {  	s12 =	simm.s32 $0x5080;
	s3 =	sor.u32 s3, s2;
	s2 =	simm.s32 $0x0  }
0x9: {  	s13 =	simm.s32 $0x5480;
	s14 =	simm.s32 $0x5C80;
	[smem:$0x7FF] =	sst s2  }
0xa: {  	s15 =	simm.s32 $0x6080;
	_ =	strace $0x80000047;
	[dreg:$0x4] =	wrdreg s19  }
0xb: {  	s16 =	simm.s32 $0x6880;
	s17 =	simm.s32 $0x6C80;
	[dreg:$0x5] =	wrdreg s20  }
0xc: {  	s28 =	simm.s32 $0xA880;
	s29 =	simm.s32 $0xB080;
	[dreg:$0x6] =	wrdreg s21  }
0xd: {  	s30 =	simm.s32 $0xB480;
	s1 =	ssub.s32 $0x2, s1;
	[dreg:$0x7] =	wrdreg s22  }
0xe: {  	s31 =	simm.s32 $0xBC80;
	s6 =	sshrl.u32 s1, $0x1;
	[dreg:$0x8] =	wrdreg s23  }
0xf: {  	s5 =	sshrl.u32 s3, $0x3;
	s3 =	sshrl.u32 s3, $0x2;
	[dreg:$0x9] =	wrdreg s24  }
0x10: {  	s1 =	ssub.s32 s1, s6;
	s6 =	simm.s32 $0x2;
	[dreg:$0xa] =	wrdreg s25  }
0x11: {  	s5 =	smul.u32 $0x180, s5;
	s3 =	sadd.s32 s3, s4;
	[dreg:$0xb] =	wrdreg s26  }
0x12: {  	s19 =	simm.s32 $0x7880;
	s20 =	simm.s32 $0x8080;
	s21 =	simm.s32 $0x8480  }
0x13: {  	s22 =	simm.s32 $0x8C80;
	s23 =	simm.s32 $0x9080;
	s24 =	simm.s32 $0x9880  }
0x14: {  	s25 =	simm.s32 $0x9C80;
	s26 =	simm.s32 $0xA480;
	s3 =	sadd.s32 $0xD800, s3  }
0x15: {  	v2 =	vlaneseq.u32;
	s5 =	sadd.s32 s5, s4;
	[dreg:$0x2] =	wrdreg s3;
	s3 =	sadd.s32 $0x7800, s4  }
0x16: {  	vm0 =	vmmov $0xffff;
	vm1 =	vmmov $0xff;
	v1 =	vshrl.u32 v2, $0x3;
	s4 =	sadd.s32 $0x7900, s4;
	s18 =	sadd.s32 $0xDC00, s5;
	s5 =	smax.u32 s1, $0x1  }
0x17: {  	v0 =	vand.u32 $0x7, v2;
	v2 =	vor.u32 $0x8, v2;
	v1 =	vmul.u32 $0x8, v1;
	s1 =	simm.s32 $0x1;
	[dreg:$0x3] =	wrdreg s18;
	s18 =	simm.s32 $0x7480  }
.LBB2_1:
0x18: {  	s0 =	rddreg [dreg:$0x2]  }
0x19: {  	[tilespmem:s2], [sflag:$0x2] =	stream.linear.gather [hbm4b:s0+s2], $0x80, $0x38;
	[tilespmem:$0xC080] =	vst v63  }
0x1a: {  	_ =	swait.ge [sflag:s6], $0x80  }
0x1b: {  	[sflag:s6] =	ssyncset.done $0x0  }
0x1c: {  	[sflag:s6] =	ssyncadd.s32 $0xFFFFFF80  }
0x1d: {  	v3 =	vld [tilespmem:$0x0];
	_ =	sdelay $0x4  }
0x1e: {  	v4 =	vshrl.u32 v3, $0x3  }
0x1f: {  	v4 =	vmul.u32 $0x18, v4  }
0x20: {  	v3 =	vand.u32 $0x7, v3  }
0x21: {  	v3 =	vor.u32 v3, v4  }
0x22: {  	v4 =	vperm.xlane v3, v0;
	_ =	sdelay $0x1  }
0x23: {  	v4 =	vadd.s32 v1, v4;
	_ =	sdelay $0x1  }
0x24: {  	v3 =	vperm.xlane v3, v2;
	_ =	sdelay $0x1  }
0x25: {  	v3 =	vadd.s32 v1, v3  }
0x26: {  	[tilespmem:s7], [sflag:$0x1] =	stream.indirect_vreg.gather [hbm4b:s3+s2], $0x80, v4, vm0, $0xb8;
	[tilespmem:$0xC080] =	vst v63  }
0x27: {  	s0 =	rddreg [dreg:$0x4]  }
0x28: {  	[tilespmem:s0], [sflag:$0x1] =	stream.indirect_vreg.gather [hbm4b:s4+s2], $0x80, v4, vm1, $0xb8;
	[tilespmem:$0xC080] =	vst v63  }
0x29: {  	s8 =	rddreg [dreg:$0x5]  }
0x2a: {  	[tilespmem:s8], [sflag:$0x1] =	stream.indirect_vreg.gather [hbm4b:s3+s2], $0x80, v3, vm0, $0xb8;
	[tilespmem:$0xC080] =	vst v63  }
0x2b: {  	s0 =	rddreg [dreg:$0x6]  }
0x2c: {  	[tilespmem:s0], [sflag:$0x1] =	stream.indirect_vreg.gather [hbm4b:s4+s2], $0x80, v3, vm1, $0xb8;
	[tilespmem:$0xC080] =	vst v63  }
0x2d: {  	v3 =	vld [tilespmem:$0x10];
	_ =	sdelay $0x4  }
0x2e: {  	v57 =	vshrl.u32 v3, $0x3  }
0x2f: {  	v4 =	vmul.u32 $0x18, v57  }
0x30: {  	v3 =	vand.u32 $0x7, v3  }
0x31: {  	v3 =	vor.u32 v3, v4  }
0x32: {  	v4 =	vperm.xlane v3, v0;
	_ =	sdelay $0x1  }
0x33: {  	v4 =	vadd.s32 v1, v4;
	_ =	sdelay $0x1  }
0x34: {  	v3 =	vperm.xlane v3, v2;
	_ =	sdelay $0x1  }
0x35: {  	s0 =	rddreg [dreg:$0x7];
	v3 =	vadd.s32 v1, v3  }
0x36: {  	[tilespmem:s0], [sflag:$0x1] =	stream.indirect_vreg.gather [hbm4b:s3+s2], $0x80, v4, vm0, $0xb8;
	[tilespmem:$0xC080] =	vst v63  }
0x37: {  	s8 =	rddreg [dreg:$0x8]  }
0x38: {  	[tilespmem:s8], [sflag:$0x1] =	stream.indirect_vreg.gather [hbm4b:s4+s2], $0x80, v4, vm1, $0xb8;
	[tilespmem:$0xC080] =	vst v63  }
0x39: {  	s0 =	rddreg [dreg:$0x9]  }
0x3a: {  	[tilespmem:s0], [sflag:$0x1] =	stream.indirect_vreg.gather [hbm4b:s3+s2], $0x80, v3, vm0, $0xb8;
	[tilespmem:$0xC080] =	vst v63  }
0x3b: {  	s8 =	rddreg [dreg:$0xa]  }
0x3c: {  	[tilespmem:s8], [sflag:$0x1] =	stream.indirect_vreg.gather [hbm4b:s4+s2], $0x80, v3, vm1, $0xb8;
	[tilespmem:$0xC080] =	vst v63  }
0x3d: {  	v3 =	vld [tilespmem:$0x20];
	_ =	sdelay $0x4  }
0x3e: {  	v58 =	vshrl.u32 v3, $0x3  }
0x3f: {  	v4 =	vmul.u32 $0x18, v58  }
0x40: {  	v3 =	vand.u32 $0x7, v3  }
0x41: {  	v3 =	vor.u32 v3, v4  }
0x42: {  	v4 =	vperm.xlane v3, v0;
	_ =	sdelay $0x1  }
0x43: {  	v4 =	vadd.s32 v1, v4;
	_ =	sdelay $0x1  }
0x44: {  	v3 =	vperm.xlane v3, v2;
	_ =	sdelay $0x1  }
0x45: {  	s8 =	rddreg [dreg:$0xb];
	v3 =	vadd.s32 v1, v3  }
0x46: {  	[tilespmem:s8], [sflag:$0x1] =	stream.indirect_vreg.gather [hbm4b:s3+s2], $0x80, v4, vm0, $0xb8;
	[tilespmem:$0xC080] =	vst v63  }
0x47: {  	s8 =	simm.s32 $0x3880  }
0x48: {  	[tilespmem:s8], [sflag:$0x1] =	stream.indirect_vreg.gather [hbm4b:s4+s2], $0x80, v4, vm1, $0xb8;
	[tilespmem:$0xC080] =	vst v63  }
0x49: {  	_ = 	snop  }
0x4a: {  	[tilespmem:s9], [sflag:$0x1] =	stream.indirect_vreg.gather [hbm4b:s3+s2], $0x80, v3, vm0, $0xb8;
	[tilespmem:$0xC080] =	vst v63  }
0x4b: {  	_ = 	snop  }
0x4c: {  	[tilespmem:s10], [sflag:$0x1] =	stream.indirect_vreg.gather [hbm4b:s4+s2], $0x80, v3, vm1, $0xb8;
	[tilespmem:$0xC080] =	vst v63  }
0x4d: {  	v3 =	vld [tilespmem:$0x30];
	_ =	sdelay $0x4  }
0x4e: {  	v59 =	vshrl.u32 v3, $0x3  }
0x4f: {  	v4 =	vmul.u32 $0x18, v59  }
0x50: {  	v3 =	vand.u32 $0x7, v3  }
0x51: {  	v3 =	vor.u32 v3, v4  }
0x52: {  	v4 =	vperm.xlane v3, v0;
	_ =	sdelay $0x1  }
0x53: {  	v4 =	vadd.s32 v1, v4;
	_ =	sdelay $0x1  }
0x54: {  	v3 =	vperm.xlane v3, v2;
	_ =	sdelay $0x1  }
0x55: {  	v3 =	vadd.s32 v1, v3  }
0x56: {  	[tilespmem:s11], [sflag:$0x1] =	stream.indirect_vreg.gather [hbm4b:s3+s2], $0x80, v4, vm0, $0xb8;
	[tilespmem:$0xC080] =	vst v63  }
0x57: {  	_ = 	snop  }
0x58: {  	[tilespmem:s12], [sflag:$0x1] =	stream.indirect_vreg.gather [hbm4b:s4+s2], $0x80, v4, vm1, $0xb8;
	[tilespmem:$0xC080] =	vst v63  }
0x59: {  	_ = 	snop  }
0x5a: {  	[tilespmem:s13], [sflag:$0x1] =	stream.indirect_vreg.gather [hbm4b:s3+s2], $0x80, v3, vm0, $0xb8;
	[tilespmem:$0xC080] =	vst v63  }
0x5b: {  	_ = 	snop  }
0x5c: {  	[tilespmem:s14], [sflag:$0x1] =	stream.indirect_vreg.gather [hbm4b:s4+s2], $0x80, v3, vm1, $0xb8;
	[tilespmem:$0xC080] =	vst v63  }
0x5d: {  	v3 =	vld [tilespmem:$0x40];
	_ =	sdelay $0x4  }
0x5e: {  	v60 =	vshrl.u32 v3, $0x3  }
0x5f: {  	v4 =	vmul.u32 $0x18, v60  }
0x60: {  	v3 =	vand.u32 $0x7, v3  }
0x61: {  	v3 =	vor.u32 v3, v4  }
0x62: {  	v4 =	vperm.xlane v3, v0;
	_ =	sdelay $0x1  }
0x63: {  	v4 =	vadd.s32 v1, v4;
	_ =	sdelay $0x1  }
0x64: {  	v3 =	vperm.xlane v3, v2;
	_ =	sdelay $0x1  }
0x65: {  	v3 =	vadd.s32 v1, v3  }
0x66: {  	[tilespmem:s15], [sflag:$0x1] =	stream.indirect_vreg.gather [hbm4b:s3+s2], $0x80, v4, vm0, $0xb8;
	[tilespmem:$0xC080] =	vst v63  }
0x67: {  	_ = 	snop  }
0x68: {  	[tilespmem:s16], [sflag:$0x1] =	stream.indirect_vreg.gather [hbm4b:s4+s2], $0x80, v4, vm1, $0xb8;
	[tilespmem:$0xC080] =	vst v63  }
0x69: {  	_ = 	snop  }
0x6a: {  	[tilespmem:s17], [sflag:$0x1] =	stream.indirect_vreg.gather [hbm4b:s3+s2], $0x80, v3, vm0, $0xb8;
	[tilespmem:$0xC080] =	vst v63  }
0x6b: {  	_ = 	snop  }
0x6c: {  	[tilespmem:s18], [sflag:$0x1] =	stream.indirect_vreg.gather [hbm4b:s4+s2], $0x80, v3, vm1, $0xb8;
	[tilespmem:$0xC080] =	vst v63  }
0x6d: {  	v3 =	vld [tilespmem:$0x50];
	_ =	sdelay $0x4  }
0x6e: {  	v61 =	vshrl.u32 v3, $0x3  }
0x6f: {  	v4 =	vmul.u32 $0x18, v61  }
0x70: {  	v3 =	vand.u32 $0x7, v3  }
0x71: {  	v3 =	vor.u32 v3, v4  }
0x72: {  	v4 =	vperm.xlane v3, v0;
	_ =	sdelay $0x1  }
0x73: {  	v4 =	vadd.s32 v1, v4;
	_ =	sdelay $0x1  }
0x74: {  	v3 =	vperm.xlane v3, v2;
	_ =	sdelay $0x1  }
0x75: {  	v3 =	vadd.s32 v1, v3  }
0x76: {  	[tilespmem:s19], [sflag:$0x1] =	stream.indirect_vreg.gather [hbm4b:s3+s2], $0x80, v4, vm0, $0xb8;
	[tilespmem:$0xC080] =	vst v63  }
0x77: {  	_ = 	snop  }
0x78: {  	[tilespmem:s20], [sflag:$0x1] =	stream.indirect_vreg.gather [hbm4b:s4+s2], $0x80, v4, vm1, $0xb8;
	[tilespmem:$0xC080] =	vst v63  }
0x79: {  	_ = 	snop  }
0x7a: {  	[tilespmem:s21], [sflag:$0x1] =	stream.indirect_vreg.gather [hbm4b:s3+s2], $0x80, v3, vm0, $0xb8;
	[tilespmem:$0xC080] =	vst v63  }
0x7b: {  	_ = 	snop  }
0x7c: {  	[tilespmem:s22], [sflag:$0x1] =	stream.indirect_vreg.gather [hbm4b:s4+s2], $0x80, v3, vm1, $0xb8;
	[tilespmem:$0xC080] =	vst v63  }
0x7d: {  	v3 =	vld [tilespmem:$0x60];
	_ =	sdelay $0x4  }
0x7e: {  	v62 =	vshrl.u32 v3, $0x3  }
0x7f: {  	v4 =	vmul.u32 $0x18, v62  }
0x80: {  	v3 =	vand.u32 $0x7, v3  }
0x81: {  	v3 =	vor.u32 v3, v4  }
0x82: {  	v4 =	vperm.xlane v3, v0;
	_ =	sdelay $0x1  }
0x83: {  	v4 =	vadd.s32 v1, v4;
	_ =	sdelay $0x1  }
0x84: {  	v3 =	vperm.xlane v3, v2;
	_ =	sdelay $0x1  }
0x85: {  	v3 =	vadd.s32 v1, v3  }
0x86: {  	[tilespmem:s23], [sflag:$0x1] =	stream.indirect_vreg.gather [hbm4b:s3+s2], $0x80, v4, vm0, $0xb8;
	[tilespmem:$0xC080] =	vst v63  }
0x87: {  	_ = 	snop  }
0x88: {  	[tilespmem:s24], [sflag:$0x1] =	stream.indirect_vreg.gather [hbm4b:s4+s2], $0x80, v4, vm1, $0xb8;
	[tilespmem:$0xC080] =	vst v63  }
0x89: {  	_ = 	snop  }
0x8a: {  	[tilespmem:s25], [sflag:$0x1] =	stream.indirect_vreg.gather [hbm4b:s3+s2], $0x80, v3, vm0, $0xb8;
	[tilespmem:$0xC080] =	vst v63  }
0x8b: {  	_ = 	snop  }
0x8c: {  	[tilespmem:s26], [sflag:$0x1] =	stream.indirect_vreg.gather [hbm4b:s4+s2], $0x80, v3, vm1, $0xb8;
	[tilespmem:$0xC080] =	vst v63  }
0x8d: {  	v3 =	vld [tilespmem:$0x70];
	_ =	sdelay $0x4  }
0x8e: {  	v63 =	vshrl.u32 v3, $0x3  }
0x8f: {  	v4 =	vmul.u32 $0x18, v63  }
0x90: {  	v3 =	vand.u32 $0x7, v3  }
0x91: {  	v3 =	vor.u32 v3, v4  }
0x92: {  	v4 =	vperm.xlane v3, v0;
	_ =	sdelay $0x1  }
0x93: {  	v4 =	vadd.s32 v1, v4;
	_ =	sdelay $0x1  }
0x94: {  	v3 =	vperm.xlane v3, v2;
	_ =	sdelay $0x1  }
0x95: {  	v3 =	vadd.s32 v1, v3  }
0x96: {  	[tilespmem:s28], [sflag:$0x1] =	stream.indirect_vreg.gather [hbm4b:s3+s2], $0x80, v4, vm0, $0xb8;
	[tilespmem:$0xC080] =	vst v63  }
0x97: {  	_ = 	snop  }
0x98: {  	[tilespmem:s29], [sflag:$0x1] =	stream.indirect_vreg.gather [hbm4b:s4+s2], $0x80, v4, vm1, $0xb8;
	[tilespmem:$0xC080] =	vst v63  }
0x99: {  	_ = 	snop  }
0x9a: {  	[tilespmem:s30], [sflag:$0x1] =	stream.indirect_vreg.gather [hbm4b:s3+s2], $0x80, v3, vm0, $0xb8;
	[tilespmem:$0xC080] =	vst v63  }
0x9b: {  	_ = 	snop  }
0x9c: {  	[tilespmem:s31], [sflag:$0x1] =	stream.indirect_vreg.gather [hbm4b:s4+s2], $0x80, v3, vm1, $0xb8;
	[tilespmem:$0xC080] =	vst v63  }
0x9d: {  	_ =	swait.ge [sflag:s1], $0xC000  }
0x9e: {  	p0 =	sne.s32 s5, $0x1;
	[sflag:s1] =	ssyncset.done $0x0  }
.Ltmp0:
0x9f: {  	s8 =	rddreg [dreg:$0x3];
	[sflag:s1] =	ssyncadd.s32 $0xFFFF4000;
	(pc) =	sbr.rel @p0 .LBB2_1-.Ltmp0, $4  }
0xa0: {  	[hbm4b:s8+s2] =	stream.linear.scatter [tilespmem:s7], [sflag:$0x2], $0xC000, $0x38;
	[tilespmem:$0xC080] =	vst v63  }
0xa1: {  	_ =	swait.ge [sflag:s6], $0xC000  }
0xa2: {  	[sflag:s6] =	ssyncset.done $0x0  }
0xa3: {  	s5 =	sadd.s32 $0xFFFFFFFF, s5;
	[sflag:s6] =	ssyncadd.s32 $0xFFFF4000  }
0xa4: {  	_ =	sfence.sel $0x180000  }
0xa5: {  	[bflag:$0x0] =	sbarrier.arrive $0xFFFF  }
0xa6: {  	_ =	strace $0x90000047  }
0xa7: {  	s0 =	stileid.u32;
	[bflag:$0x2] =	sbarrier.arrive $0xFFFF  }
0xa8: {  	p0 =	sne.s32 s0, $0x0;
	s0 =	rddreg [dreg:$0x1]  }
0xa9: {  	s0 =	sadd.s32 @!p0 $0x100000, s0  }
0xaa: {  	[sflag:s0] =	ssyncadd.tile.s32 @!p0 $0x1;
	_ =	shalt  }
.Lfunc_end2:
_tile_overlayer_lowered:
.L_overlay_start_2:
0xab: {  	(tag) =	ssettag $0x2  }
0xac: {  	s0 =	rddreg [dreg:$0x0];
	s2 =	stileid.u32  }
0xad: {  	s1 =	rddreg [dreg:$0x1];
	p0 =	sne.s32 s2, $0x0  }
0xae: {  	s3 =	rddreg [dreg:$0x2];
	[bflag:$0x3] =	sbarrier.arrive $0xFFFF;
	s2 =	simm.s32 @!p0 $0x1C02  }
0xaf: {  	[timem:s3], [sflag:s2] =	dma.local @!p0 [hbm:s0], s1  }
0xb0: {  	s0 =	simm.s32 @!p0 $0x2  }
0xb1: {  	_ =	swait.ge @!p0 [sflag:s0], s1  }
0xb2: {  	s1 =	ssub.s32 @!p0 $0x0, s1;
	[sflag:s0] =	ssyncset.done @!p0 $0x0  }
0xb3: {  	[sflag:s0] =	ssyncadd.s32 @!p0 s1  }
0xb4: {  	[bflag:$0x3] =	sbarrier.arrive $0xFFFF  }
0xb5: {  	_ =	shalt  }

</sc_bundles>
